<compile_context>
chip_gen: v7x
topology: tpu7x:2x2x1
jax: 0.10.2.dev20260603
libtpu: 0.0.44.dev20260713+nightly
codegen_flags: <defaults>
</compile_context>

<pallas_src>
import functools

import jax
import jax.numpy as jnp
from jax import lax
from jax.experimental import pallas as pl
from jax.experimental.pallas import tpu as pltpu
from jax.experimental.pallas import tpu_sc as plsc

NC = 2
NS = 16
NW = NC * NS
LANES = 16

B = 16384
BPW = B // NW
EMB = 32
GEMB = 4
GROWS = 1001
GFLAT = GROWS * GEMB
GPAD = 4008
NGT = 8
GD = NGT * GEMB

DBLK = 32768
NPAIR = EMB // 2
HWORDS = NPAIR * DBLK
SCH = 2048
NPW = BPW * NPAIR
NSTREAM = NPW // SCH

MASK16 = -65536


def _detile(table_t, sel_even, sel_odd, nblk):

    def body(x_ref, pe_ref, po_ref, o_ref):
        x = x_ref[...]
        even = jnp.dot(pe_ref[...], x, preferred_element_type=jnp.float32)
        odd = jnp.dot(po_ref[...], x, preferred_element_type=jnp.float32)
        ei = jax.lax.bitcast_convert_type(even, jnp.int32)
        oi = jax.lax.bitcast_convert_type(odd, jnp.int32)
        packed = (oi & MASK16) | jax.lax.shift_right_logical(ei, 16)
        o_ref[...] = packed.reshape(HWORDS)

    return pl.pallas_call(
        body,
        grid=(nblk,),
        in_specs=[
            pl.BlockSpec((EMB, DBLK), lambda i: (0, i)),
            pl.BlockSpec((NPAIR, EMB), lambda i: (0, 0)),
            pl.BlockSpec((NPAIR, EMB), lambda i: (0, 0)),
        ],
        out_specs=pl.BlockSpec((HWORDS,), lambda i: (i,)),
        out_shape=jax.ShapeDtypeStruct((nblk * HWORDS,), jnp.int32),
    )(table_t, sel_even, sel_odd)


def _sc_gather_bg(book_title, g1, g2, g3, g4, g5, g6, g7, g8,
                  bflat, t1, t2, t3, t4, t5, t6, t7, t8):
    mesh = plsc.VectorSubcoreMesh(core_axis_name="c", subcore_axis_name="s")

    @functools.partial(
        pl.kernel,
        out_type=(
            jax.ShapeDtypeStruct((B * NPAIR,), jnp.int32),
            jax.ShapeDtypeStruct((B * NPAIR,), jnp.int32),
        ),
        mesh=mesh,
        compiler_params=pltpu.CompilerParams(
            needs_layout_passes=False, use_tc_tiling_on_sc=False),
        scratch_types=(
            pltpu.VMEM((BPW,), jnp.int32),
            pltpu.VMEM((NPW,), jnp.int32),
            pltpu.VMEM((NPW,), jnp.int32),
            pltpu.VMEM((NGT * BPW,), jnp.int32),
            pltpu.VMEM((NGT * GPAD,), jnp.float32),
            pltpu.VMEM((NPAIR * BPW,), jnp.int32),
            pltpu.SemaphoreType.DMA,
        ),
    )
    def k(bid_hbm, gid1, gid2, gid3, gid4, gid5, gid6, gid7, gid8,
          bflat_hbm, gt1, gt2, gt3, gt4, gt5, gt6, gt7, gt8,
          out_b, out_g,
          bidx_v, baddr, brows, gidx_v, gtab_v, grows, semb):
        wid = lax.axis_index("s") * NC + lax.axis_index("c")
        base = wid * BPW

        pltpu.sync_copy(bid_hbm.at[pl.ds(base, BPW)], bidx_v)

        iota = lax.iota(jnp.int32, LANES)

        def addr_body(v, carry):
            s0 = v * LANES
            pos = (s0 + iota) * NPAIR
            bids = bidx_v[pl.ds(s0, LANES)]
            bbase = (bids >> 15) * HWORDS + (bids & 32767)
            for j in range(NPAIR):
                plsc.store_scatter(baddr, [pos + j], bbase + (j * DBLK))
            return carry

        lax.fori_loop(0, BPW // LANES, addr_body, 0)

        copies = []
        for c in range(NSTREAM):
            copies.append(pltpu.async_copy(
                bflat_hbm.at[baddr.at[pl.ds(c * SCH, SCH)]],
                brows.at[pl.ds(c * SCH, SCH)], semb))

        for t, gid in enumerate((gid1, gid2, gid3, gid4,
                                 gid5, gid6, gid7, gid8)):
            pltpu.sync_copy(gid.at[pl.ds(base, BPW)],
                            gidx_v.at[pl.ds(t * BPW, BPW)])
        for t, gt in enumerate((gt1, gt2, gt3, gt4, gt5, gt6, gt7, gt8)):
            pltpu.sync_copy(gt, gtab_v.at[pl.ds(t * GPAD, GFLAT)])

        def vec_body(v, carry):
            s0 = v * LANES
            pos = (s0 + iota) * NPAIR
            for t in range(NGT):
                ids = gidx_v[pl.ds(t * BPW + s0, LANES)]
                flat = ids * GEMB + (t * GPAD)
                for c2 in range(GEMB // 2):
                    v0 = plsc.load_gather(gtab_v, [flat + 2 * c2])
                    v1 = plsc.load_gather(gtab_v, [flat + 2 * c2 + 1])
                    w = ((plsc.bitcast(v1, jnp.int32) & MASK16)
                         | lax.shift_right_logical(
                             plsc.bitcast(v0, jnp.int32), 16))
                    plsc.store_scatter(grows, [pos + (t * 2 + c2)], w)
            return carry

        lax.fori_loop(0, BPW // LANES, vec_body, 0)

        for c in copies:
            c.wait()

        pltpu.sync_copy(brows, out_b.at[pl.ds(wid * NPW, NPW)])
        pltpu.sync_copy(grows, out_g.at[pl.ds(wid * NPW, NPW)])

    return k(book_title, g1, g2, g3, g4, g5, g6, g7, g8,
             bflat, t1, t2, t3, t4, t5, t6, t7, t8)


def _sc_gather_u(user_id, uflat):
    mesh = plsc.VectorSubcoreMesh(core_axis_name="c", subcore_axis_name="s")

    @functools.partial(
        pl.kernel,
        out_type=jax.ShapeDtypeStruct((B * NPAIR,), jnp.int32),
        mesh=mesh,
        compiler_params=pltpu.CompilerParams(
            needs_layout_passes=False, use_tc_tiling_on_sc=False),
        scratch_types=(
            pltpu.VMEM((BPW,), jnp.int32),
            pltpu.VMEM((NPW,), jnp.int32),
            pltpu.VMEM((NPW,), jnp.int32),
            pltpu.SemaphoreType.DMA,
        ),
    )
    def k(uid_hbm, uflat_hbm, out_u, uidx_v, uaddr, urows, semu):
        wid = lax.axis_index("s") * NC + lax.axis_index("c")
        base = wid * BPW

        pltpu.sync_copy(uid_hbm.at[pl.ds(base, BPW)], uidx_v)

        iota = lax.iota(jnp.int32, LANES)

        def addr_body(v, carry):
            s0 = v * LANES
            pos = (s0 + iota) * NPAIR
            uids = uidx_v[pl.ds(s0, LANES)]
            ubase = (uids >> 15) * HWORDS + (uids & 32767)
            for j in range(NPAIR):
                plsc.store_scatter(uaddr, [pos + j], ubase + (j * DBLK))
            return carry

        lax.fori_loop(0, BPW // LANES, addr_body, 0)

        copies = []
        for c in range(NSTREAM):
            copies.append(pltpu.async_copy(
                uflat_hbm.at[uaddr.at[pl.ds(c * SCH, SCH)]],
                urows.at[pl.ds(c * SCH, SCH)], semu))

        for c in copies:
            c.wait()

        pltpu.sync_copy(urows, out_u.at[pl.ds(wid * NPW, NPW)])

    return k(user_id, uflat)


BLK = 256


def _mlp_body(u_ref, b_ref, g_ref,
              w1ae_ref, w1ao_ref, w1be_ref, w1bo_ref, w1ce_ref, w1co_ref,
              b1_ref, w2_ref, b2_ref, w3_ref, b3_ref, w4_ref, b4_ref,
              out_ref):
    f32 = jnp.float32

    def unpack(ref):
        x = ref[...]
        ev = jax.lax.bitcast_convert_type(jax.lax.shift_left(x, 16), f32)
        od = jax.lax.bitcast_convert_type(x & MASK16, f32)
        return ev, od

    ue, uo = unpack(u_ref)
    be, bo = unpack(b_ref)
    ge, go = unpack(g_ref)
    h = jnp.dot(ue, w1ae_ref[...], preferred_element_type=f32)
    h = h + jnp.dot(uo, w1ao_ref[...], preferred_element_type=f32)
    h = h + jnp.dot(be, w1be_ref[...], preferred_element_type=f32)
    h = h + jnp.dot(bo, w1bo_ref[...], preferred_element_type=f32)
    h = h + jnp.dot(ge, w1ce_ref[...], preferred_element_type=f32)
    h = h + jnp.dot(go, w1co_ref[...], preferred_element_type=f32)
    h = jnp.maximum(h + b1_ref[...], 0.0)
    h = jnp.maximum(
        jnp.dot(h, w2_ref[...], preferred_element_type=f32) + b2_ref[...], 0.0)
    h = jnp.maximum(
        jnp.dot(h, w3_ref[...], preferred_element_type=f32) + b3_ref[...], 0.0)
    out_ref[...] = (
        jnp.dot(h, w4_ref[...], preferred_element_type=f32) + b4_ref[...])


def _mlp(u2, b2g, g2, W1, b1, W2, b2, W3, b3, W4, b4):
    eye8 = jnp.eye(8, dtype=jnp.float32)
    exp1 = lambda w: jnp.einsum("ab,jo->ajbo", eye8, w).reshape(128, 256)
    w1ae = exp1(W1[0:EMB:2, :])
    w1ao = exp1(W1[1:EMB:2, :])
    w1be = exp1(W1[EMB:2 * EMB:2, :])
    w1bo = exp1(W1[EMB + 1:2 * EMB:2, :])
    w1ce = exp1(W1[2 * EMB::2, :])
    w1co = exp1(W1[2 * EMB + 1::2, :])
    w2 = jnp.einsum("ab,op->aobp", eye8, W2).reshape(256, 128)
    w3 = jnp.einsum("ab,pq->apbq", eye8, W3).reshape(128, 64)
    w4 = jnp.einsum("ab,qr->aqbr", eye8, W4).reshape(64, 8)
    b1e = jnp.tile(b1, 8).reshape(1, 256)
    b2e = jnp.tile(b2, 8).reshape(1, 128)
    b3e = jnp.tile(b3, 8).reshape(1, 64)
    b4e = jnp.tile(b4, 8).reshape(1, 8)

    grid = (B // 8) // BLK
    full = lambda shape: pl.BlockSpec(shape, lambda i: (0, 0))
    out = pl.pallas_call(
        _mlp_body,
        grid=(grid,),
        in_specs=[
            pl.BlockSpec((BLK, 128), lambda i: (i, 0)),
            pl.BlockSpec((BLK, 128), lambda i: (i, 0)),
            pl.BlockSpec((BLK, 128), lambda i: (i, 0)),
            full((128, 256)),
            full((128, 256)),
            full((128, 256)),
            full((128, 256)),
            full((128, 256)),
            full((128, 256)),
            full((1, 256)),
            full((256, 128)),
            full((1, 128)),
            full((128, 64)),
            full((1, 64)),
            full((64, 8)),
            full((1, 8)),
        ],
        out_specs=pl.BlockSpec((BLK, 8), lambda i: (i, 0)),
        out_shape=jax.ShapeDtypeStruct((B // 8, 8), jnp.float32),
    )(u2, b2g, g2, w1ae, w1ao, w1be, w1bo, w1ce, w1co,
      b1e, w2, b2e, w3, b3e, w4, b4e)
    return out.reshape(B, 1)


def kernel(user_id, book_title,
           user_genre_cat_1, user_genre_cat_2, user_genre_cat_3,
           user_genre_cat_4,
           book_genre_cat_1, book_genre_cat_2, book_genre_cat_3,
           book_genre_cat_4,
           user_table, book_table,
           ug_table_1, ug_table_2, ug_table_3, ug_table_4,
           bg_table_1, bg_table_2, bg_table_3, bg_table_4,
           W1, b1, W2, b2, W3, b3, W4, b4):
    nblk_u = -(-user_table.shape[0] // DBLK)
    nblk_b = -(-book_table.shape[0] // DBLK)
    eye = jnp.eye(EMB, dtype=jnp.float32)
    sel_even = eye[0::2]
    sel_odd = eye[1::2]
    bflat = _detile(book_table.T, sel_even, sel_odd, nblk_b)
    b_f, g_f = _sc_gather_bg(
        book_title,
        user_genre_cat_1, user_genre_cat_2, user_genre_cat_3,
        user_genre_cat_4,
        book_genre_cat_1, book_genre_cat_2, book_genre_cat_3,
        book_genre_cat_4,
        bflat,
        ug_table_1.reshape(-1), ug_table_2.reshape(-1),
        ug_table_3.reshape(-1), ug_table_4.reshape(-1),
        bg_table_1.reshape(-1), bg_table_2.reshape(-1),
        bg_table_3.reshape(-1), bg_table_4.reshape(-1))
    uflat = _detile(user_table.T, sel_even, sel_odd, nblk_u)
    u_f = _sc_gather_u(user_id, uflat)
    u2 = u_f.reshape(B * NPAIR // 128, 128)
    bb2 = b_f.reshape(B * NPAIR // 128, 128)
    g2 = g_f.reshape(B * NPAIR // 128, 128)
    return _mlp(u2, bb2, g2, W1, b1, W2, b2, W3, b3, W4, b4)

# --- scband reference (transcript-rebuilt; emitter-appended) ---
"""Pipeline reference for scband-ranking-model-24146306138458 (READ-ONLY COPY).

The authoritative reference and input builder live on the scoring server;
editing this copy changes nothing except your own understanding.
"""

import jax, jax.numpy as jnp
import numpy as np

B = 16384
USER_VOCAB = 1000000
BOOK_VOCAB = 100000
GENRE_VOCAB = 1000
EMB = 32
GEMB = 4


def setup_inputs(seed: int = 0) -> dict:
    key = jax.random.key(seed)
    ks = jax.random.split(key, 32)
    inp = {}
    inp['user_id'] = jax.random.randint(ks[0], (B,), 0, USER_VOCAB + 1, dtype=jnp.int32)
    inp['book_title'] = jax.random.randint(ks[1], (B,), 0, BOOK_VOCAB + 1, dtype=jnp.int32)
    for i in range(4):
        inp[f'user_genre_cat_{i+1}'] = jax.random.randint(ks[2 + i], (B,), 0, GENRE_VOCAB + 1, dtype=jnp.int32)
        inp[f'book_genre_cat_{i+1}'] = jax.random.randint(ks[6 + i], (B,), 0, GENRE_VOCAB + 1, dtype=jnp.int32)
    inp['user_table'] = jax.random.normal(ks[10], (USER_VOCAB + 1, EMB), dtype=jnp.float32) * 0.05
    inp['book_table'] = jax.random.normal(ks[11], (BOOK_VOCAB + 1, EMB), dtype=jnp.float32) * 0.05
    for i in range(4):
        inp[f'ug_table_{i+1}'] = jax.random.normal(ks[12 + i], (GENRE_VOCAB + 1, GEMB), dtype=jnp.float32) * 0.05
        inp[f'bg_table_{i+1}'] = jax.random.normal(ks[16 + i], (GENRE_VOCAB + 1, GEMB), dtype=jnp.float32) * 0.05
    d_in = EMB * 2 + GEMB * 8
    inp['W1'] = jax.random.normal(ks[20], (d_in, 32), dtype=jnp.float32) * (1.0 / np.sqrt(d_in))
    inp['b1'] = jnp.zeros((32,), dtype=jnp.float32)
    inp['W2'] = jax.random.normal(ks[21], (32, 16), dtype=jnp.float32) * (1.0 / np.sqrt(32))
    inp['b2'] = jnp.zeros((16,), dtype=jnp.float32)
    inp['W3'] = jax.random.normal(ks[22], (16, 8), dtype=jnp.float32) * 0.25
    inp['b3'] = jnp.zeros((8,), dtype=jnp.float32)
    inp['W4'] = jax.random.normal(ks[23], (8, 1), dtype=jnp.float32) * 0.35
    inp['b4'] = jnp.zeros((1,), dtype=jnp.float32)
    return inp


def reference(user_id, book_title,
              user_genre_cat_1, user_genre_cat_2, user_genre_cat_3, user_genre_cat_4,
              book_genre_cat_1, book_genre_cat_2, book_genre_cat_3, book_genre_cat_4,
              user_table, book_table,
              ug_table_1, ug_table_2, ug_table_3, ug_table_4,
              bg_table_1, bg_table_2, bg_table_3, bg_table_4,
              W1, b1, W2, b2, W3, b3, W4, b4):
    user_embedding = jnp.take(user_table, user_id, axis=0)
    book_embedding = jnp.take(book_table, book_title, axis=0)
    ug1 = jnp.take(ug_table_1, user_genre_cat_1, axis=0)
    ug2 = jnp.take(ug_table_2, user_genre_cat_2, axis=0)
    ug3 = jnp.take(ug_table_3, user_genre_cat_3, axis=0)
    ug4 = jnp.take(ug_table_4, user_genre_cat_4, axis=0)
    bg1 = jnp.take(bg_table_1, book_genre_cat_1, axis=0)
    bg2 = jnp.take(bg_table_2, book_genre_cat_2, axis=0)
    bg3 = jnp.take(bg_table_3, book_genre_cat_3, axis=0)
    bg4 = jnp.take(bg_table_4, book_genre_cat_4, axis=0)
    h = jnp.concatenate([user_embedding, book_embedding, ug1, ug2, ug3, ug4, bg1, bg2, bg3, bg4], axis=1)
    h = jax.nn.relu(h @ W1 + b1)
    h = jax.nn.relu(h @ W2 + b2)
    h = jax.nn.relu(h @ W3 + b3)
    out = h @ W4 + b4
    return out

if __name__ == "__main__":
    import jax
    _d = setup_inputs()
    print(jax.jit(kernel)(*tuple(_d.values())))

</pallas_src>

<mosaic_0001>
#map = affine_map<(d0, d1) -> (0)>
module attributes {stable_mosaic.version = 14 : i64} {
  func.func @k(%arg0: i32, %arg1: i32, %arg2: memref<16384xi32, #tpu.memory_space<hbm>>, %arg3: memref<16384xi32, #tpu.memory_space<hbm>>, %arg4: memref<16384xi32, #tpu.memory_space<hbm>>, %arg5: memref<16384xi32, #tpu.memory_space<hbm>>, %arg6: memref<16384xi32, #tpu.memory_space<hbm>>, %arg7: memref<16384xi32, #tpu.memory_space<hbm>>, %arg8: memref<16384xi32, #tpu.memory_space<hbm>>, %arg9: memref<16384xi32, #tpu.memory_space<hbm>>, %arg10: memref<16384xi32, #tpu.memory_space<hbm>>, %arg11: memref<2097152xi32, #tpu.memory_space<hbm>>, %arg12: memref<4004xf32, #tpu.memory_space<hbm>>, %arg13: memref<4004xf32, #tpu.memory_space<hbm>>, %arg14: memref<4004xf32, #tpu.memory_space<hbm>>, %arg15: memref<4004xf32, #tpu.memory_space<hbm>>, %arg16: memref<4004xf32, #tpu.memory_space<hbm>>, %arg17: memref<4004xf32, #tpu.memory_space<hbm>>, %arg18: memref<4004xf32, #tpu.memory_space<hbm>>, %arg19: memref<4004xf32, #tpu.memory_space<hbm>>, %arg20: memref<262144xi32, #tpu.memory_space<hbm>>, %arg21: memref<262144xi32, #tpu.memory_space<hbm>>, %arg22: memref<512xi32, #tpu.memory_space<vmem>>, %arg23: memref<8192xi32, #tpu.memory_space<vmem>>, %arg24: memref<8192xi32, #tpu.memory_space<vmem>>, %arg25: memref<4096xi32, #tpu.memory_space<vmem>>, %arg26: memref<32064xf32, #tpu.memory_space<vmem>>, %arg27: memref<8192xi32, #tpu.memory_space<vmem>>, %arg28: memref<!tpu.dma_semaphore, #tpu.memory_space<semaphore_mem>>) attributes {dimension_semantics = [#tpu.dimension_semantics<core_parallel>, #tpu.dimension_semantics<subcore_parallel>], iteration_bounds = array<i64: 2, 16>, scalar_prefetch = 0 : i64, scratch_operands = 7 : i64, tpu.core_type = #tpu.core_type<sc_vector_subcore>, window_params = [{transform_indices = #map}, {transform_indices = #map}, {transform_indices = #map}, {transform_indices = #map}, {transform_indices = #map}, {transform_indices = #map}, {transform_indices = #map}, {transform_indices = #map}, {transform_indices = #map}, {transform_indices = #map}, {transform_indices = #map}, {transform_indices = #map}, {transform_indices = #map}, {transform_indices = #map}, {transform_indices = #map}, {transform_indices = #map}, {transform_indices = #map}, {transform_indices = #map}, {transform_indices = #map}, {transform_indices = #map}]} {
    %mul3A = arith.constant 2 : i32
    %mul3A_0 = arith.muli %arg1, %mul3A : i32
    %add3A = arith.addi %mul3A_0, %arg0 : i32
    %mul3A_1 = arith.constant 512 : i32
    %mul3A_2 = arith.muli %add3A, %mul3A_1 : i32
    "tpu.region"() ({
      %run_scoped3A = tpu.sem_alloc : memref<!tpu.dma_semaphore, #tpu.memory_space<semaphore_mem>>
      %dma_start3A_64 = tpu.memref_slice %arg2[%mul3A_2] : memref<16384xi32, #tpu.memory_space<hbm>> -> memref<512xi32, #tpu.memory_space<hbm>>
      %dma_start3A_65 = tpu.memref_slice %arg2[%mul3A_2] : memref<16384xi32, #tpu.memory_space<hbm>> -> memref<512xi32, #tpu.memory_space<hbm>>
      tpu.enqueue_dma source(%dma_start3A_65 : memref<512xi32, #tpu.memory_space<hbm>>) target(%arg22 : memref<512xi32, #tpu.memory_space<vmem>>) target_semaphore(%run_scoped3A : memref<!tpu.dma_semaphore, #tpu.memory_space<semaphore_mem>>)
      %dma_wait3A_66 = tpu.memref_slice %arg2[%mul3A_2] : memref<16384xi32, #tpu.memory_space<hbm>> -> memref<512xi32, #tpu.memory_space<hbm>>
      %dma_wait3A_67 = tpu.memref_slice %arg2[%mul3A_2] : memref<16384xi32, #tpu.memory_space<hbm>> -> memref<512xi32, #tpu.memory_space<hbm>>
      tpu.wait_dma2 semaphore(%run_scoped3A : memref<!tpu.dma_semaphore, #tpu.memory_space<semaphore_mem>>) src(%dma_wait3A_67 : memref<512xi32, #tpu.memory_space<hbm>>) dst(%arg22 : memref<512xi32, #tpu.memory_space<vmem>>)
      tpu.yield
    }) : () -> ()
    %iota3A = tpu.iota {dimensions = array<i32: 0>} : vector<16xi32>
    %scan3A = arith.constant 0 : i32
    %scan3A_3 = arith.constant 0 : i32
    %scan3A_4 = arith.constant 32 : i32
    %scan3A_5 = arith.addi %scan3A_3, %scan3A_4 : i32
    %scan3A_6 = arith.constant 1 : i32
    scf.for %scan3A_64 = %scan3A_3 to %scan3A_5 step %scan3A_6  : i32 {
      %mul3A_65 = arith.constant 16 : i32
      %mul3A_66 = arith.muli %scan3A_64, %mul3A_65 : i32
      %add3A_67 = vector.broadcast %mul3A_66 : i32 to vector<16xi32>
      %add3A_68 = arith.addi %add3A_67, %iota3A : vector<16xi32>
      %mul3A_69 = arith.constant 16 : i32
      %mul3A_70 = vector.broadcast %mul3A_69 : i32 to vector<16xi32>
      %mul3A_71 = arith.muli %add3A_68, %mul3A_70 : vector<16xi32>
      %get3A = arith.index_cast %mul3A_66 : i32 to index
      %get3A_72 = tpu.vector_load %arg22[%get3A] {strides = array<i32>} : memref<512xi32, #tpu.memory_space<vmem>>, vector<16xi32>,
      %shift_right_arithmetic3A = arith.constant 15 : i32
      %shift_right_arithmetic3A_73 = vector.broadcast %shift_right_arithmetic3A : i32 to vector<16xi32>
      %shift_right_arithmetic3A_74 = arith.shrsi %get3A_72, %shift_right_arithmetic3A_73 : vector<16xi32>
      %mul3A_75 = arith.constant 524288 : i32
      %mul3A_76 = vector.broadcast %mul3A_75 : i32 to vector<16xi32>
      %mul3A_77 = arith.muli %shift_right_arithmetic3A_74, %mul3A_76 : vector<16xi32>
      %and3A = arith.constant 32767 : i32
      %and3A_78 = vector.broadcast %and3A : i32 to vector<16xi32>
      %and3A_79 = arith.andi %get3A_72, %and3A_78 : vector<16xi32>
      %add3A_80 = arith.addi %mul3A_77, %and3A_79 : vector<16xi32>
      %add3A_81 = arith.constant 0 : i32
      %add3A_82 = vector.broadcast %add3A_81 : i32 to vector<16xi32>
      %add3A_83 = arith.addi %mul3A_71, %add3A_82 : vector<16xi32>
      %add3A_84 = arith.constant 0 : i32
      %add3A_85 = vector.broadcast %add3A_84 : i32 to vector<16xi32>
      %add3A_86 = arith.addi %add3A_80, %add3A_85 : vector<16xi32>
      tpu.vector_store_idx %arg23[%add3A_83], %add3A_86 : memref<8192xi32, #tpu.memory_space<vmem>>[vector<16xi32>], vector<16xi32>,
      %add3A_87 = arith.constant 1 : i32
      %add3A_88 = vector.broadcast %add3A_87 : i32 to vector<16xi32>
      %add3A_89 = arith.addi %mul3A_71, %add3A_88 : vector<16xi32>
      %add3A_90 = arith.constant 32768 : i32
      %add3A_91 = vector.broadcast %add3A_90 : i32 to vector<16xi32>
      %add3A_92 = arith.addi %add3A_80, %add3A_91 : vector<16xi32>
      tpu.vector_store_idx %arg23[%add3A_89], %add3A_92 : memref<8192xi32, #tpu.memory_space<vmem>>[vector<16xi32>], vector<16xi32>,
      %add3A_93 = arith.constant 2 : i32
      %add3A_94 = vector.broadcast %add3A_93 : i32 to vector<16xi32>
      %add3A_95 = arith.addi %mul3A_71, %add3A_94 : vector<16xi32>
      %add3A_96 = arith.constant 65536 : i32
      %add3A_97 = vector.broadcast %add3A_96 : i32 to vector<16xi32>
      %add3A_98 = arith.addi %add3A_80, %add3A_97 : vector<16xi32>
      tpu.vector_store_idx %arg23[%add3A_95], %add3A_98 : memref<8192xi32, #tpu.memory_space<vmem>>[vector<16xi32>], vector<16xi32>,
      %add3A_99 = arith.constant 3 : i32
      %add3A_100 = vector.broadcast %add3A_99 : i32 to vector<16xi32>
      %add3A_101 = arith.addi %mul3A_71, %add3A_100 : vector<16xi32>
      %add3A_102 = arith.constant 98304 : i32
      %add3A_103 = vector.broadcast %add3A_102 : i32 to vector<16xi32>
      %add3A_104 = arith.addi %add3A_80, %add3A_103 : vector<16xi32>
      tpu.vector_store_idx %arg23[%add3A_101], %add3A_104 : memref<8192xi32, #tpu.memory_space<vmem>>[vector<16xi32>], vector<16xi32>,
      %add3A_105 = arith.constant 4 : i32
      %add3A_106 = vector.broadcast %add3A_105 : i32 to vector<16xi32>
      %add3A_107 = arith.addi %mul3A_71, %add3A_106 : vector<16xi32>
      %add3A_108 = arith.constant 131072 : i32
      %add3A_109 = vector.broadcast %add3A_108 : i32 to vector<16xi32>
      %add3A_110 = arith.addi %add3A_80, %add3A_109 : vector<16xi32>
      tpu.vector_store_idx %arg23[%add3A_107], %add3A_110 : memref<8192xi32, #tpu.memory_space<vmem>>[vector<16xi32>], vector<16xi32>,
      %add3A_111 = arith.constant 5 : i32
      %add3A_112 = vector.broadcast %add3A_111 : i32 to vector<16xi32>
      %add3A_113 = arith.addi %mul3A_71, %add3A_112 : vector<16xi32>
      %add3A_114 = arith.constant 163840 : i32
      %add3A_115 = vector.broadcast %add3A_114 : i32 to vector<16xi32>
      %add3A_116 = arith.addi %add3A_80, %add3A_115 : vector<16xi32>
      tpu.vector_store_idx %arg23[%add3A_113], %add3A_116 : memref<8192xi32, #tpu.memory_space<vmem>>[vector<16xi32>], vector<16xi32>,
      %add3A_117 = arith.constant 6 : i32
      %add3A_118 = vector.broadcast %add3A_117 : i32 to vector<16xi32>
      %add3A_119 = arith.addi %mul3A_71, %add3A_118 : vector<16xi32>
      %add3A_120 = arith.constant 196608 : i32
      %add3A_121 = vector.broadcast %add3A_120 : i32 to vector<16xi32>
      %add3A_122 = arith.addi %add3A_80, %add3A_121 : vector<16xi32>
      tpu.vector_store_idx %arg23[%add3A_119], %add3A_122 : memref<8192xi32, #tpu.memory_space<vmem>>[vector<16xi32>], vector<16xi32>,
      %add3A_123 = arith.constant 7 : i32
      %add3A_124 = vector.broadcast %add3A_123 : i32 to vector<16xi32>
      %add3A_125 = arith.addi %mul3A_71, %add3A_124 : vector<16xi32>
      %add3A_126 = arith.constant 229376 : i32
      %add3A_127 = vector.broadcast %add3A_126 : i32 to vector<16xi32>
      %add3A_128 = arith.addi %add3A_80, %add3A_127 : vector<16xi32>
      tpu.vector_store_idx %arg23[%add3A_125], %add3A_128 : memref<8192xi32, #tpu.memory_space<vmem>>[vector<16xi32>], vector<16xi32>,
      %add3A_129 = arith.constant 8 : i32
      %add3A_130 = vector.broadcast %add3A_129 : i32 to vector<16xi32>
      %add3A_131 = arith.addi %mul3A_71, %add3A_130 : vector<16xi32>
      %add3A_132 = arith.constant 262144 : i32
      %add3A_133 = vector.broadcast %add3A_132 : i32 to vector<16xi32>
      %add3A_134 = arith.addi %add3A_80, %add3A_133 : vector<16xi32>
      tpu.vector_store_idx %arg23[%add3A_131], %add3A_134 : memref<8192xi32, #tpu.memory_space<vmem>>[vector<16xi32>], vector<16xi32>,
      %add3A_135 = arith.constant 9 : i32
      %add3A_136 = vector.broadcast %add3A_135 : i32 to vector<16xi32>
      %add3A_137 = arith.addi %mul3A_71, %add3A_136 : vector<16xi32>
      %add3A_138 = arith.constant 294912 : i32
      %add3A_139 = vector.broadcast %add3A_138 : i32 to vector<16xi32>
      %add3A_140 = arith.addi %add3A_80, %add3A_139 : vector<16xi32>
      tpu.vector_store_idx %arg23[%add3A_137], %add3A_140 : memref<8192xi32, #tpu.memory_space<vmem>>[vector<16xi32>], vector<16xi32>,
      %add3A_141 = arith.constant 10 : i32
      %add3A_142 = vector.broadcast %add3A_141 : i32 to vector<16xi32>
      %add3A_143 = arith.addi %mul3A_71, %add3A_142 : vector<16xi32>
      %add3A_144 = arith.constant 327680 : i32
      %add3A_145 = vector.broadcast %add3A_144 : i32 to vector<16xi32>
      %add3A_146 = arith.addi %add3A_80, %add3A_145 : vector<16xi32>
      tpu.vector_store_idx %arg23[%add3A_143], %add3A_146 : memref<8192xi32, #tpu.memory_space<vmem>>[vector<16xi32>], vector<16xi32>,
      %add3A_147 = arith.constant 11 : i32
      %add3A_148 = vector.broadcast %add3A_147 : i32 to vector<16xi32>
      %add3A_149 = arith.addi %mul3A_71, %add3A_148 : vector<16xi32>
      %add3A_150 = arith.constant 360448 : i32
      %add3A_151 = vector.broadcast %add3A_150 : i32 to vector<16xi32>
      %add3A_152 = arith.addi %add3A_80, %add3A_151 : vector<16xi32>
      tpu.vector_store_idx %arg23[%add3A_149], %add3A_152 : memref<8192xi32, #tpu.memory_space<vmem>>[vector<16xi32>], vector<16xi32>,
      %add3A_153 = arith.constant 12 : i32
      %add3A_154 = vector.broadcast %add3A_153 : i32 to vector<16xi32>
      %add3A_155 = arith.addi %mul3A_71, %add3A_154 : vector<16xi32>
      %add3A_156 = arith.constant 393216 : i32
      %add3A_157 = vector.broadcast %add3A_156 : i32 to vector<16xi32>
      %add3A_158 = arith.addi %add3A_80, %add3A_157 : vector<16xi32>
      tpu.vector_store_idx %arg23[%add3A_155], %add3A_158 : memref<8192xi32, #tpu.memory_space<vmem>>[vector<16xi32>], vector<16xi32>,
      %add3A_159 = arith.constant 13 : i32
      %add3A_160 = vector.broadcast %add3A_159 : i32 to vector<16xi32>
      %add3A_161 = arith.addi %mul3A_71, %add3A_160 : vector<16xi32>
      %add3A_162 = arith.constant 425984 : i32
      %add3A_163 = vector.broadcast %add3A_162 : i32 to vector<16xi32>
      %add3A_164 = arith.addi %add3A_80, %add3A_163 : vector<16xi32>
      tpu.vector_store_idx %arg23[%add3A_161], %add3A_164 : memref<8192xi32, #tpu.memory_space<vmem>>[vector<16xi32>], vector<16xi32>,
      %add3A_165 = arith.constant 14 : i32
      %add3A_166 = vector.broadcast %add3A_165 : i32 to vector<16xi32>
      %add3A_167 = arith.addi %mul3A_71, %add3A_166 : vector<16xi32>
      %add3A_168 = arith.constant 458752 : i32
      %add3A_169 = vector.broadcast %add3A_168 : i32 to vector<16xi32>
      %add3A_170 = arith.addi %add3A_80, %add3A_169 : vector<16xi32>
      tpu.vector_store_idx %arg23[%add3A_167], %add3A_170 : memref<8192xi32, #tpu.memory_space<vmem>>[vector<16xi32>], vector<16xi32>,
      %add3A_171 = arith.constant 15 : i32
      %add3A_172 = vector.broadcast %add3A_171 : i32 to vector<16xi32>
      %add3A_173 = arith.addi %mul3A_71, %add3A_172 : vector<16xi32>
      %add3A_174 = arith.constant 491520 : i32
      %add3A_175 = vector.broadcast %add3A_174 : i32 to vector<16xi32>
      %add3A_176 = arith.addi %add3A_80, %add3A_175 : vector<16xi32>
      tpu.vector_store_idx %arg23[%add3A_173], %add3A_176 : memref<8192xi32, #tpu.memory_space<vmem>>[vector<16xi32>], vector<16xi32>,
    }
    %scan3A_7 = arith.constant 32 : i32
    %dma_start3A = arith.constant 0 : i32
    %dma_start3A_8 = tpu.memref_slice %arg24[%dma_start3A] : memref<8192xi32, #tpu.memory_space<vmem>> -> memref<2048xi32, #tpu.memory_space<vmem>>
    %dma_start3A_9 = arith.constant 0 : i32
    %dma_start3A_10 = tpu.memref_slice %arg23[%dma_start3A_9] : memref<8192xi32, #tpu.memory_space<vmem>> -> memref<2048xi32, #tpu.memory_space<vmem>>
    %dma_start3A_11 = arith.constant 0 : i32
    %dma_start3A_12 = tpu.memref_slice %arg11[%dma_start3A_11] : memref<2097152xi32, #tpu.memory_space<hbm>> -> memref<2097152xi32, #tpu.memory_space<hbm>>
    tpu.enqueue_indirect_dma source(%dma_start3A_12 : memref<2097152xi32, #tpu.memory_space<hbm>>) target(%dma_start3A_8 : memref<2048xi32, #tpu.memory_space<vmem>>) offsets(%dma_start3A_10 : memref<2048xi32, #tpu.memory_space<vmem>>) semaphore(%arg28 : memref<!tpu.dma_semaphore, #tpu.memory_space<semaphore_mem>>)
    %dma_start3A_13 = arith.constant 2048 : i32
    %dma_start3A_14 = tpu.memref_slice %arg24[%dma_start3A_13] : memref<8192xi32, #tpu.memory_space<vmem>> -> memref<2048xi32, #tpu.memory_space<vmem>>
    %dma_start3A_15 = arith.constant 2048 : i32
    %dma_start3A_16 = tpu.memref_slice %arg23[%dma_start3A_15] : memref<8192xi32, #tpu.memory_space<vmem>> -> memref<2048xi32, #tpu.memory_space<vmem>>
    %dma_start3A_17 = arith.constant 0 : i32
    %dma_start3A_18 = tpu.memref_slice %arg11[%dma_start3A_17] : memref<2097152xi32, #tpu.memory_space<hbm>> -> memref<2097152xi32, #tpu.memory_space<hbm>>
    tpu.enqueue_indirect_dma source(%dma_start3A_18 : memref<2097152xi32, #tpu.memory_space<hbm>>) target(%dma_start3A_14 : memref<2048xi32, #tpu.memory_space<vmem>>) offsets(%dma_start3A_16 : memref<2048xi32, #tpu.memory_space<vmem>>) semaphore(%arg28 : memref<!tpu.dma_semaphore, #tpu.memory_space<semaphore_mem>>)
    %dma_start3A_19 = arith.constant 4096 : i32
    %dma_start3A_20 = tpu.memref_slice %arg24[%dma_start3A_19] : memref<8192xi32, #tpu.memory_space<vmem>> -> memref<2048xi32, #tpu.memory_space<vmem>>
    %dma_start3A_21 = arith.constant 4096 : i32
    %dma_start3A_22 = tpu.memref_slice %arg23[%dma_start3A_21] : memref<8192xi32, #tpu.memory_space<vmem>> -> memref<2048xi32, #tpu.memory_space<vmem>>
    %dma_start3A_23 = arith.constant 0 : i32
    %dma_start3A_24 = tpu.memref_slice %arg11[%dma_start3A_23] : memref<2097152xi32, #tpu.memory_space<hbm>> -> memref<2097152xi32, #tpu.memory_space<hbm>>
    tpu.enqueue_indirect_dma source(%dma_start3A_24 : memref<2097152xi32, #tpu.memory_space<hbm>>) target(%dma_start3A_20 : memref<2048xi32, #tpu.memory_space<vmem>>) offsets(%dma_start3A_22 : memref<2048xi32, #tpu.memory_space<vmem>>) semaphore(%arg28 : memref<!tpu.dma_semaphore, #tpu.memory_space<semaphore_mem>>)
    %dma_start3A_25 = arith.constant 6144 : i32
    %dma_start3A_26 = tpu.memref_slice %arg24[%dma_start3A_25] : memref<8192xi32, #tpu.memory_space<vmem>> -> memref<2048xi32, #tpu.memory_space<vmem>>
    %dma_start3A_27 = arith.constant 6144 : i32
    %dma_start3A_28 = tpu.memref_slice %arg23[%dma_start3A_27] : memref<8192xi32, #tpu.memory_space<vmem>> -> memref<2048xi32, #tpu.memory_space<vmem>>
    %dma_start3A_29 = arith.constant 0 : i32
    %dma_start3A_30 = tpu.memref_slice %arg11[%dma_start3A_29] : memref<2097152xi32, #tpu.memory_space<hbm>> -> memref<2097152xi32, #tpu.memory_space<hbm>>
    tpu.enqueue_indirect_dma source(%dma_start3A_30 : memref<2097152xi32, #tpu.memory_space<hbm>>) target(%dma_start3A_26 : memref<2048xi32, #tpu.memory_space<vmem>>) offsets(%dma_start3A_28 : memref<2048xi32, #tpu.memory_space<vmem>>) semaphore(%arg28 : memref<!tpu.dma_semaphore, #tpu.memory_space<semaphore_mem>>)
    "tpu.region"() ({
      %run_scoped3A = tpu.sem_alloc : memref<!tpu.dma_semaphore, #tpu.memory_space<semaphore_mem>>
      %dma_start3A_64 = arith.constant 0 : i32
      %dma_start3A_65 = tpu.memref_slice %arg25[%dma_start3A_64] : memref<4096xi32, #tpu.memory_space<vmem>> -> memref<512xi32, #tpu.memory_space<vmem>>
      %dma_start3A_66 = tpu.memref_slice %arg3[%mul3A_2] : memref<16384xi32, #tpu.memory_space<hbm>> -> memref<512xi32, #tpu.memory_space<hbm>>
      %dma_start3A_67 = arith.constant 0 : i32
      %dma_start3A_68 = tpu.memref_slice %arg25[%dma_start3A_67] : memref<4096xi32, #tpu.memory_space<vmem>> -> memref<512xi32, #tpu.memory_space<vmem>>
      %dma_start3A_69 = tpu.memref_slice %arg3[%mul3A_2] : memref<16384xi32, #tpu.memory_space<hbm>> -> memref<512xi32, #tpu.memory_space<hbm>>
      tpu.enqueue_dma source(%dma_start3A_69 : memref<512xi32, #tpu.memory_space<hbm>>) target(%dma_start3A_68 : memref<512xi32, #tpu.memory_space<vmem>>) target_semaphore(%run_scoped3A : memref<!tpu.dma_semaphore, #tpu.memory_space<semaphore_mem>>)
      %dma_wait3A_70 = arith.constant 0 : i32
      %dma_wait3A_71 = tpu.memref_slice %arg25[%dma_wait3A_70] : memref<4096xi32, #tpu.memory_space<vmem>> -> memref<512xi32, #tpu.memory_space<vmem>>
      %dma_wait3A_72 = tpu.memref_slice %arg3[%mul3A_2] : memref<16384xi32, #tpu.memory_space<hbm>> -> memref<512xi32, #tpu.memory_space<hbm>>
      %dma_wait3A_73 = arith.constant 0 : i32
      %dma_wait3A_74 = tpu.memref_slice %arg25[%dma_wait3A_73] : memref<4096xi32, #tpu.memory_space<vmem>> -> memref<512xi32, #tpu.memory_space<vmem>>
      %dma_wait3A_75 = tpu.memref_slice %arg3[%mul3A_2] : memref<16384xi32, #tpu.memory_space<hbm>> -> memref<512xi32, #tpu.memory_space<hbm>>
      tpu.wait_dma2 semaphore(%run_scoped3A : memref<!tpu.dma_semaphore, #tpu.memory_space<semaphore_mem>>) src(%dma_wait3A_75 : memref<512xi32, #tpu.memory_space<hbm>>) dst(%dma_wait3A_74 : memref<512xi32, #tpu.memory_space<vmem>>)
      tpu.yield
    }) : () -> ()
    "tpu.region"() ({
      %run_scoped3A = tpu.sem_alloc : memref<!tpu.dma_semaphore, #tpu.memory_space<semaphore_mem>>
      %dma_start3A_64 = arith.constant 512 : i32
      %dma_start3A_65 = tpu.memref_slice %arg25[%dma_start3A_64] : memref<4096xi32, #tpu.memory_space<vmem>> -> memref<512xi32, #tpu.memory_space<vmem>>
      %dma_start3A_66 = tpu.memref_slice %arg4[%mul3A_2] : memref<16384xi32, #tpu.memory_space<hbm>> -> memref<512xi32, #tpu.memory_space<hbm>>
      %dma_start3A_67 = arith.constant 512 : i32
      %dma_start3A_68 = tpu.memref_slice %arg25[%dma_start3A_67] : memref<4096xi32, #tpu.memory_space<vmem>> -> memref<512xi32, #tpu.memory_space<vmem>>
      %dma_start3A_69 = tpu.memref_slice %arg4[%mul3A_2] : memref<16384xi32, #tpu.memory_space<hbm>> -> memref<512xi32, #tpu.memory_space<hbm>>
      tpu.enqueue_dma source(%dma_start3A_69 : memref<512xi32, #tpu.memory_space<hbm>>) target(%dma_start3A_68 : memref<512xi32, #tpu.memory_space<vmem>>) target_semaphore(%run_scoped3A : memref<!tpu.dma_semaphore, #tpu.memory_space<semaphore_mem>>)
      %dma_wait3A_70 = arith.constant 512 : i32
      %dma_wait3A_71 = tpu.memref_slice %arg25[%dma_wait3A_70] : memref<4096xi32, #tpu.memory_space<vmem>> -> memref<512xi32, #tpu.memory_space<vmem>>
      %dma_wait3A_72 = tpu.memref_slice %arg4[%mul3A_2] : memref<16384xi32, #tpu.memory_space<hbm>> -> memref<512xi32, #tpu.memory_space<hbm>>
      %dma_wait3A_73 = arith.constant 512 : i32
      %dma_wait3A_74 = tpu.memref_slice %arg25[%dma_wait3A_73] : memref<4096xi32, #tpu.memory_space<vmem>> -> memref<512xi32, #tpu.memory_space<vmem>>
      %dma_wait3A_75 = tpu.memref_slice %arg4[%mul3A_2] : memref<16384xi32, #tpu.memory_space<hbm>> -> memref<512xi32, #tpu.memory_space<hbm>>
      tpu.wait_dma2 semaphore(%run_scoped3A : memref<!tpu.dma_semaphore, #tpu.memory_space<semaphore_mem>>) src(%dma_wait3A_75 : memref<512xi32, #tpu.memory_space<hbm>>) dst(%dma_wait3A_74 : memref<512xi32, #tpu.memory_space<vmem>>)
      tpu.yield
    }) : () -> ()
    "tpu.region"() ({
      %run_scoped3A = tpu.sem_alloc : memref<!tpu.dma_semaphore, #tpu.memory_space<semaphore_mem>>
      %dma_start3A_64 = arith.constant 1024 : i32
      %dma_start3A_65 = tpu.memref_slice %arg25[%dma_start3A_64] : memref<4096xi32, #tpu.memory_space<vmem>> -> memref<512xi32, #tpu.memory_space<vmem>>
      %dma_start3A_66 = tpu.memref_slice %arg5[%mul3A_2] : memref<16384xi32, #tpu.memory_space<hbm>> -> memref<512xi32, #tpu.memory_space<hbm>>
      %dma_start3A_67 = arith.constant 1024 : i32
      %dma_start3A_68 = tpu.memref_slice %arg25[%dma_start3A_67] : memref<4096xi32, #tpu.memory_space<vmem>> -> memref<512xi32, #tpu.memory_space<vmem>>
      %dma_start3A_69 = tpu.memref_slice %arg5[%mul3A_2] : memref<16384xi32, #tpu.memory_space<hbm>> -> memref<512xi32, #tpu.memory_space<hbm>>
      tpu.enqueue_dma source(%dma_start3A_69 : memref<512xi32, #tpu.memory_space<hbm>>) target(%dma_start3A_68 : memref<512xi32, #tpu.memory_space<vmem>>) target_semaphore(%run_scoped3A : memref<!tpu.dma_semaphore, #tpu.memory_space<semaphore_mem>>)
      %dma_wait3A_70 = arith.constant 1024 : i32
      %dma_wait3A_71 = tpu.memref_slice %arg25[%dma_wait3A_70] : memref<4096xi32, #tpu.memory_space<vmem>> -> memref<512xi32, #tpu.memory_space<vmem>>
      %dma_wait3A_72 = tpu.memref_slice %arg5[%mul3A_2] : memref<16384xi32, #tpu.memory_space<hbm>> -> memref<512xi32, #tpu.memory_space<hbm>>
      %dma_wait3A_73 = arith.constant 1024 : i32
      %dma_wait3A_74 = tpu.memref_slice %arg25[%dma_wait3A_73] : memref<4096xi32, #tpu.memory_space<vmem>> -> memref<512xi32, #tpu.memory_space<vmem>>
      %dma_wait3A_75 = tpu.memref_slice %arg5[%mul3A_2] : memref<16384xi32, #tpu.memory_space<hbm>> -> memref<512xi32, #tpu.memory_space<hbm>>
      tpu.wait_dma2 semaphore(%run_scoped3A : memref<!tpu.dma_semaphore, #tpu.memory_space<semaphore_mem>>) src(%dma_wait3A_75 : memref<512xi32, #tpu.memory_space<hbm>>) dst(%dma_wait3A_74 : memref<512xi32, #tpu.memory_space<vmem>>)
      tpu.yield
    }) : () -> ()
    "tpu.region"() ({
      %run_scoped3A = tpu.sem_alloc : memref<!tpu.dma_semaphore, #tpu.memory_space<semaphore_mem>>
      %dma_start3A_64 = arith.constant 1536 : i32
      %dma_start3A_65 = tpu.memref_slice %arg25[%dma_start3A_64] : memref<4096xi32, #tpu.memory_space<vmem>> -> memref<512xi32, #tpu.memory_space<vmem>>
      %dma_start3A_66 = tpu.memref_slice %arg6[%mul3A_2] : memref<16384xi32, #tpu.memory_space<hbm>> -> memref<512xi32, #tpu.memory_space<hbm>>
      %dma_start3A_67 = arith.constant 1536 : i32
      %dma_start3A_68 = tpu.memref_slice %arg25[%dma_start3A_67] : memref<4096xi32, #tpu.memory_space<vmem>> -> memref<512xi32, #tpu.memory_space<vmem>>
      %dma_start3A_69 = tpu.memref_slice %arg6[%mul3A_2] : memref<16384xi32, #tpu.memory_space<hbm>> -> memref<512xi32, #tpu.memory_space<hbm>>
      tpu.enqueue_dma source(%dma_start3A_69 : memref<512xi32, #tpu.memory_space<hbm>>) target(%dma_start3A_68 : memref<512xi32, #tpu.memory_space<vmem>>) target_semaphore(%run_scoped3A : memref<!tpu.dma_semaphore, #tpu.memory_space<semaphore_mem>>)
      %dma_wait3A_70 = arith.constant 1536 : i32
      %dma_wait3A_71 = tpu.memref_slice %arg25[%dma_wait3A_70] : memref<4096xi32, #tpu.memory_space<vmem>> -> memref<512xi32, #tpu.memory_space<vmem>>
      %dma_wait3A_72 = tpu.memref_slice %arg6[%mul3A_2] : memref<16384xi32, #tpu.memory_space<hbm>> -> memref<512xi32, #tpu.memory_space<hbm>>
      %dma_wait3A_73 = arith.constant 1536 : i32
      %dma_wait3A_74 = tpu.memref_slice %arg25[%dma_wait3A_73] : memref<4096xi32, #tpu.memory_space<vmem>> -> memref<512xi32, #tpu.memory_space<vmem>>
      %dma_wait3A_75 = tpu.memref_slice %arg6[%mul3A_2] : memref<16384xi32, #tpu.memory_space<hbm>> -> memref<512xi32, #tpu.memory_space<hbm>>
      tpu.wait_dma2 semaphore(%run_scoped3A : memref<!tpu.dma_semaphore, #tpu.memory_space<semaphore_mem>>) src(%dma_wait3A_75 : memref<512xi32, #tpu.memory_space<hbm>>) dst(%dma_wait3A_74 : memref<512xi32, #tpu.memory_space<vmem>>)
      tpu.yield
    }) : () -> ()
    "tpu.region"() ({
      %run_scoped3A = tpu.sem_alloc : memref<!tpu.dma_semaphore, #tpu.memory_space<semaphore_mem>>
      %dma_start3A_64 = arith.constant 2048 : i32
      %dma_start3A_65 = tpu.memref_slice %arg25[%dma_start3A_64] : memref<4096xi32, #tpu.memory_space<vmem>> -> memref<512xi32, #tpu.memory_space<vmem>>
      %dma_start3A_66 = tpu.memref_slice %arg7[%mul3A_2] : memref<16384xi32, #tpu.memory_space<hbm>> -> memref<512xi32, #tpu.memory_space<hbm>>
      %dma_start3A_67 = arith.constant 2048 : i32
      %dma_start3A_68 = tpu.memref_slice %arg25[%dma_start3A_67] : memref<4096xi32, #tpu.memory_space<vmem>> -> memref<512xi32, #tpu.memory_space<vmem>>
      %dma_start3A_69 = tpu.memref_slice %arg7[%mul3A_2] : memref<16384xi32, #tpu.memory_space<hbm>> -> memref<512xi32, #tpu.memory_space<hbm>>
      tpu.enqueue_dma source(%dma_start3A_69 : memref<512xi32, #tpu.memory_space<hbm>>) target(%dma_start3A_68 : memref<512xi32, #tpu.memory_space<vmem>>) target_semaphore(%run_scoped3A : memref<!tpu.dma_semaphore, #tpu.memory_space<semaphore_mem>>)
      %dma_wait3A_70 = arith.constant 2048 : i32
      %dma_wait3A_71 = tpu.memref_slice %arg25[%dma_wait3A_70] : memref<4096xi32, #tpu.memory_space<vmem>> -> memref<512xi32, #tpu.memory_space<vmem>>
      %dma_wait3A_72 = tpu.memref_slice %arg7[%mul3A_2] : memref<16384xi32, #tpu.memory_space<hbm>> -> memref<512xi32, #tpu.memory_space<hbm>>
      %dma_wait3A_73 = arith.constant 2048 : i32
      %dma_wait3A_74 = tpu.memref_slice %arg25[%dma_wait3A_73] : memref<4096xi32, #tpu.memory_space<vmem>> -> memref<512xi32, #tpu.memory_space<vmem>>
      %dma_wait3A_75 = tpu.memref_slice %arg7[%mul3A_2] : memref<16384xi32, #tpu.memory_space<hbm>> -> memref<512xi32, #tpu.memory_space<hbm>>
      tpu.wait_dma2 semaphore(%run_scoped3A : memref<!tpu.dma_semaphore, #tpu.memory_space<semaphore_mem>>) src(%dma_wait3A_75 : memref<512xi32, #tpu.memory_space<hbm>>) dst(%dma_wait3A_74 : memref<512xi32, #tpu.memory_space<vmem>>)
      tpu.yield
    }) : () -> ()
    "tpu.region"() ({
      %run_scoped3A = tpu.sem_alloc : memref<!tpu.dma_semaphore, #tpu.memory_space<semaphore_mem>>
      %dma_start3A_64 = arith.constant 2560 : i32
      %dma_start3A_65 = tpu.memref_slice %arg25[%dma_start3A_64] : memref<4096xi32, #tpu.memory_space<vmem>> -> memref<512xi32, #tpu.memory_space<vmem>>
      %dma_start3A_66 = tpu.memref_slice %arg8[%mul3A_2] : memref<16384xi32, #tpu.memory_space<hbm>> -> memref<512xi32, #tpu.memory_space<hbm>>
      %dma_start3A_67 = arith.constant 2560 : i32
      %dma_start3A_68 = tpu.memref_slice %arg25[%dma_start3A_67] : memref<4096xi32, #tpu.memory_space<vmem>> -> memref<512xi32, #tpu.memory_space<vmem>>
      %dma_start3A_69 = tpu.memref_slice %arg8[%mul3A_2] : memref<16384xi32, #tpu.memory_space<hbm>> -> memref<512xi32, #tpu.memory_space<hbm>>
      tpu.enqueue_dma source(%dma_start3A_69 : memref<512xi32, #tpu.memory_space<hbm>>) target(%dma_start3A_68 : memref<512xi32, #tpu.memory_space<vmem>>) target_semaphore(%run_scoped3A : memref<!tpu.dma_semaphore, #tpu.memory_space<semaphore_mem>>)
      %dma_wait3A_70 = arith.constant 2560 : i32
      %dma_wait3A_71 = tpu.memref_slice %arg25[%dma_wait3A_70] : memref<4096xi32, #tpu.memory_space<vmem>> -> memref<512xi32, #tpu.memory_space<vmem>>
      %dma_wait3A_72 = tpu.memref_slice %arg8[%mul3A_2] : memref<16384xi32, #tpu.memory_space<hbm>> -> memref<512xi32, #tpu.memory_space<hbm>>
      %dma_wait3A_73 = arith.constant 2560 : i32
      %dma_wait3A_74 = tpu.memref_slice %arg25[%dma_wait3A_73] : memref<4096xi32, #tpu.memory_space<vmem>> -> memref<512xi32, #tpu.memory_space<vmem>>
      %dma_wait3A_75 = tpu.memref_slice %arg8[%mul3A_2] : memref<16384xi32, #tpu.memory_space<hbm>> -> memref<512xi32, #tpu.memory_space<hbm>>
      tpu.wait_dma2 semaphore(%run_scoped3A : memref<!tpu.dma_semaphore, #tpu.memory_space<semaphore_mem>>) src(%dma_wait3A_75 : memref<512xi32, #tpu.memory_space<hbm>>) dst(%dma_wait3A_74 : memref<512xi32, #tpu.memory_space<vmem>>)
      tpu.yield
    }) : () -> ()
    "tpu.region"() ({
      %run_scoped3A = tpu.sem_alloc : memref<!tpu.dma_semaphore, #tpu.memory_space<semaphore_mem>>
      %dma_start3A_64 = arith.constant 3072 : i32
      %dma_start3A_65 = tpu.memref_slice %arg25[%dma_start3A_64] : memref<4096xi32, #tpu.memory_space<vmem>> -> memref<512xi32, #tpu.memory_space<vmem>>
      %dma_start3A_66 = tpu.memref_slice %arg9[%mul3A_2] : memref<16384xi32, #tpu.memory_space<hbm>> -> memref<512xi32, #tpu.memory_space<hbm>>
      %dma_start3A_67 = arith.constant 3072 : i32
      %dma_start3A_68 = tpu.memref_slice %arg25[%dma_start3A_67] : memref<4096xi32, #tpu.memory_space<vmem>> -> memref<512xi32, #tpu.memory_space<vmem>>
      %dma_start3A_69 = tpu.memref_slice %arg9[%mul3A_2] : memref<16384xi32, #tpu.memory_space<hbm>> -> memref<512xi32, #tpu.memory_space<hbm>>
      tpu.enqueue_dma source(%dma_start3A_69 : memref<512xi32, #tpu.memory_space<hbm>>) target(%dma_start3A_68 : memref<512xi32, #tpu.memory_space<vmem>>) target_semaphore(%run_scoped3A : memref<!tpu.dma_semaphore, #tpu.memory_space<semaphore_mem>>)
      %dma_wait3A_70 = arith.constant 3072 : i32
      %dma_wait3A_71 = tpu.memref_slice %arg25[%dma_wait3A_70] : memref<4096xi32, #tpu.memory_space<vmem>> -> memref<512xi32, #tpu.memory_space<vmem>>
      %dma_wait3A_72 = tpu.memref_slice %arg9[%mul3A_2] : memref<16384xi32, #tpu.memory_space<hbm>> -> memref<512xi32, #tpu.memory_space<hbm>>
      %dma_wait3A_73 = arith.constant 3072 : i32
      %dma_wait3A_74 = tpu.memref_slice %arg25[%dma_wait3A_73] : memref<4096xi32, #tpu.memory_space<vmem>> -> memref<512xi32, #tpu.memory_space<vmem>>
      %dma_wait3A_75 = tpu.memref_slice %arg9[%mul3A_2] : memref<16384xi32, #tpu.memory_space<hbm>> -> memref<512xi32, #tpu.memory_space<hbm>>
      tpu.wait_dma2 semaphore(%run_scoped3A : memref<!tpu.dma_semaphore, #tpu.memory_space<semaphore_mem>>) src(%dma_wait3A_75 : memref<512xi32, #tpu.memory_space<hbm>>) dst(%dma_wait3A_74 : memref<512xi32, #tpu.memory_space<vmem>>)
      tpu.yield
    }) : () -> ()
    "tpu.region"() ({
      %run_scoped3A = tpu.sem_alloc : memref<!tpu.dma_semaphore, #tpu.memory_space<semaphore_mem>>
      %dma_start3A_64 = arith.constant 3584 : i32
      %dma_start3A_65 = tpu.memref_slice %arg25[%dma_start3A_64] : memref<4096xi32, #tpu.memory_space<vmem>> -> memref<512xi32, #tpu.memory_space<vmem>>
      %dma_start3A_66 = tpu.memref_slice %arg10[%mul3A_2] : memref<16384xi32, #tpu.memory_space<hbm>> -> memref<512xi32, #tpu.memory_space<hbm>>
      %dma_start3A_67 = arith.constant 3584 : i32
      %dma_start3A_68 = tpu.memref_slice %arg25[%dma_start3A_67] : memref<4096xi32, #tpu.memory_space<vmem>> -> memref<512xi32, #tpu.memory_space<vmem>>
      %dma_start3A_69 = tpu.memref_slice %arg10[%mul3A_2] : memref<16384xi32, #tpu.memory_space<hbm>> -> memref<512xi32, #tpu.memory_space<hbm>>
      tpu.enqueue_dma source(%dma_start3A_69 : memref<512xi32, #tpu.memory_space<hbm>>) target(%dma_start3A_68 : memref<512xi32, #tpu.memory_space<vmem>>) target_semaphore(%run_scoped3A : memref<!tpu.dma_semaphore, #tpu.memory_space<semaphore_mem>>)
      %dma_wait3A_70 = arith.constant 3584 : i32
      %dma_wait3A_71 = tpu.memref_slice %arg25[%dma_wait3A_70] : memref<4096xi32, #tpu.memory_space<vmem>> -> memref<512xi32, #tpu.memory_space<vmem>>
      %dma_wait3A_72 = tpu.memref_slice %arg10[%mul3A_2] : memref<16384xi32, #tpu.memory_space<hbm>> -> memref<512xi32, #tpu.memory_space<hbm>>
      %dma_wait3A_73 = arith.constant 3584 : i32
      %dma_wait3A_74 = tpu.memref_slice %arg25[%dma_wait3A_73] : memref<4096xi32, #tpu.memory_space<vmem>> -> memref<512xi32, #tpu.memory_space<vmem>>
      %dma_wait3A_75 = tpu.memref_slice %arg10[%mul3A_2] : memref<16384xi32, #tpu.memory_space<hbm>> -> memref<512xi32, #tpu.memory_space<hbm>>
      tpu.wait_dma2 semaphore(%run_scoped3A : memref<!tpu.dma_semaphore, #tpu.memory_space<semaphore_mem>>) src(%dma_wait3A_75 : memref<512xi32, #tpu.memory_space<hbm>>) dst(%dma_wait3A_74 : memref<512xi32, #tpu.memory_space<vmem>>)
      tpu.yield
    }) : () -> ()
    "tpu.region"() ({
      %run_scoped3A = tpu.sem_alloc : memref<!tpu.dma_semaphore, #tpu.memory_space<semaphore_mem>>
      %dma_start3A_64 = arith.constant 0 : i32
      %dma_start3A_65 = tpu.memref_slice %arg26[%dma_start3A_64] : memref<32064xf32, #tpu.memory_space<vmem>> -> memref<4004xf32, #tpu.memory_space<vmem>>
      %dma_start3A_66 = arith.constant 0 : i32
      %dma_start3A_67 = tpu.memref_slice %arg26[%dma_start3A_66] : memref<32064xf32, #tpu.memory_space<vmem>> -> memref<4004xf32, #tpu.memory_space<vmem>>
      tpu.enqueue_dma source(%arg12 : memref<4004xf32, #tpu.memory_space<hbm>>) target(%dma_start3A_67 : memref<4004xf32, #tpu.memory_space<vmem>>) target_semaphore(%run_scoped3A : memref<!tpu.dma_semaphore, #tpu.memory_space<semaphore_mem>>)
      %dma_wait3A_68 = arith.constant 0 : i32
      %dma_wait3A_69 = tpu.memref_slice %arg26[%dma_wait3A_68] : memref<32064xf32, #tpu.memory_space<vmem>> -> memref<4004xf32, #tpu.memory_space<vmem>>
      %dma_wait3A_70 = arith.constant 0 : i32
      %dma_wait3A_71 = tpu.memref_slice %arg26[%dma_wait3A_70] : memref<32064xf32, #tpu.memory_space<vmem>> -> memref<4004xf32, #tpu.memory_space<vmem>>
      tpu.wait_dma2 semaphore(%run_scoped3A : memref<!tpu.dma_semaphore, #tpu.memory_space<semaphore_mem>>) src(%arg12 : memref<4004xf32, #tpu.memory_space<hbm>>) dst(%dma_wait3A_71 : memref<4004xf32, #tpu.memory_space<vmem>>)
      tpu.yield
    }) : () -> ()
    "tpu.region"() ({
      %run_scoped3A = tpu.sem_alloc : memref<!tpu.dma_semaphore, #tpu.memory_space<semaphore_mem>>
      %dma_start3A_64 = arith.constant 4008 : i32
      %dma_start3A_65 = tpu.memref_slice %arg26[%dma_start3A_64] : memref<32064xf32, #tpu.memory_space<vmem>> -> memref<4004xf32, #tpu.memory_space<vmem>>
      %dma_start3A_66 = arith.constant 4008 : i32
      %dma_start3A_67 = tpu.memref_slice %arg26[%dma_start3A_66] : memref<32064xf32, #tpu.memory_space<vmem>> -> memref<4004xf32, #tpu.memory_space<vmem>>
      tpu.enqueue_dma source(%arg13 : memref<4004xf32, #tpu.memory_space<hbm>>) target(%dma_start3A_67 : memref<4004xf32, #tpu.memory_space<vmem>>) target_semaphore(%run_scoped3A : memref<!tpu.dma_semaphore, #tpu.memory_space<semaphore_mem>>)
      %dma_wait3A_68 = arith.constant 4008 : i32
      %dma_wait3A_69 = tpu.memref_slice %arg26[%dma_wait3A_68] : memref<32064xf32, #tpu.memory_space<vmem>> -> memref<4004xf32, #tpu.memory_space<vmem>>
      %dma_wait3A_70 = arith.constant 4008 : i32
      %dma_wait3A_71 = tpu.memref_slice %arg26[%dma_wait3A_70] : memref<32064xf32, #tpu.memory_space<vmem>> -> memref<4004xf32, #tpu.memory_space<vmem>>
      tpu.wait_dma2 semaphore(%run_scoped3A : memref<!tpu.dma_semaphore, #tpu.memory_space<semaphore_mem>>) src(%arg13 : memref<4004xf32, #tpu.memory_space<hbm>>) dst(%dma_wait3A_71 : memref<4004xf32, #tpu.memory_space<vmem>>)
      tpu.yield
    }) : () -> ()
    "tpu.region"() ({
      %run_scoped3A = tpu.sem_alloc : memref<!tpu.dma_semaphore, #tpu.memory_space<semaphore_mem>>
      %dma_start3A_64 = arith.constant 8016 : i32
      %dma_start3A_65 = tpu.memref_slice %arg26[%dma_start3A_64] : memref<32064xf32, #tpu.memory_space<vmem>> -> memref<4004xf32, #tpu.memory_space<vmem>>
      %dma_start3A_66 = arith.constant 8016 : i32
      %dma_start3A_67 = tpu.memref_slice %arg26[%dma_start3A_66] : memref<32064xf32, #tpu.memory_space<vmem>> -> memref<4004xf32, #tpu.memory_space<vmem>>
      tpu.enqueue_dma source(%arg14 : memref<4004xf32, #tpu.memory_space<hbm>>) target(%dma_start3A_67 : memref<4004xf32, #tpu.memory_space<vmem>>) target_semaphore(%run_scoped3A : memref<!tpu.dma_semaphore, #tpu.memory_space<semaphore_mem>>)
      %dma_wait3A_68 = arith.constant 8016 : i32
      %dma_wait3A_69 = tpu.memref_slice %arg26[%dma_wait3A_68] : memref<32064xf32, #tpu.memory_space<vmem>> -> memref<4004xf32, #tpu.memory_space<vmem>>
      %dma_wait3A_70 = arith.constant 8016 : i32
      %dma_wait3A_71 = tpu.memref_slice %arg26[%dma_wait3A_70] : memref<32064xf32, #tpu.memory_space<vmem>> -> memref<4004xf32, #tpu.memory_space<vmem>>
      tpu.wait_dma2 semaphore(%run_scoped3A : memref<!tpu.dma_semaphore, #tpu.memory_space<semaphore_mem>>) src(%arg14 : memref<4004xf32, #tpu.memory_space<hbm>>) dst(%dma_wait3A_71 : memref<4004xf32, #tpu.memory_space<vmem>>)
      tpu.yield
    }) : () -> ()
    "tpu.region"() ({
      %run_scoped3A = tpu.sem_alloc : memref<!tpu.dma_semaphore, #tpu.memory_space<semaphore_mem>>
      %dma_start3A_64 = arith.constant 12024 : i32
      %dma_start3A_65 = tpu.memref_slice %arg26[%dma_start3A_64] : memref<32064xf32, #tpu.memory_space<vmem>> -> memref<4004xf32, #tpu.memory_space<vmem>>
      %dma_start3A_66 = arith.constant 12024 : i32
      %dma_start3A_67 = tpu.memref_slice %arg26[%dma_start3A_66] : memref<32064xf32, #tpu.memory_space<vmem>> -> memref<4004xf32, #tpu.memory_space<vmem>>
      tpu.enqueue_dma source(%arg15 : memref<4004xf32, #tpu.memory_space<hbm>>) target(%dma_start3A_67 : memref<4004xf32, #tpu.memory_space<vmem>>) target_semaphore(%run_scoped3A : memref<!tpu.dma_semaphore, #tpu.memory_space<semaphore_mem>>)
      %dma_wait3A_68 = arith.constant 12024 : i32
      %dma_wait3A_69 = tpu.memref_slice %arg26[%dma_wait3A_68] : memref<32064xf32, #tpu.memory_space<vmem>> -> memref<4004xf32, #tpu.memory_space<vmem>>
      %dma_wait3A_70 = arith.constant 12024 : i32
      %dma_wait3A_71 = tpu.memref_slice %arg26[%dma_wait3A_70] : memref<32064xf32, #tpu.memory_space<vmem>> -> memref<4004xf32, #tpu.memory_space<vmem>>
      tpu.wait_dma2 semaphore(%run_scoped3A : memref<!tpu.dma_semaphore, #tpu.memory_space<semaphore_mem>>) src(%arg15 : memref<4004xf32, #tpu.memory_space<hbm>>) dst(%dma_wait3A_71 : memref<4004xf32, #tpu.memory_space<vmem>>)
      tpu.yield
    }) : () -> ()
    "tpu.region"() ({
      %run_scoped3A = tpu.sem_alloc : memref<!tpu.dma_semaphore, #tpu.memory_space<semaphore_mem>>
      %dma_start3A_64 = arith.constant 16032 : i32
      %dma_start3A_65 = tpu.memref_slice %arg26[%dma_start3A_64] : memref<32064xf32, #tpu.memory_space<vmem>> -> memref<4004xf32, #tpu.memory_space<vmem>>
      %dma_start3A_66 = arith.constant 16032 : i32
      %dma_start3A_67 = tpu.memref_slice %arg26[%dma_start3A_66] : memref<32064xf32, #tpu.memory_space<vmem>> -> memref<4004xf32, #tpu.memory_space<vmem>>
      tpu.enqueue_dma source(%arg16 : memref<4004xf32, #tpu.memory_space<hbm>>) target(%dma_start3A_67 : memref<4004xf32, #tpu.memory_space<vmem>>) target_semaphore(%run_scoped3A : memref<!tpu.dma_semaphore, #tpu.memory_space<semaphore_mem>>)
      %dma_wait3A_68 = arith.constant 16032 : i32
      %dma_wait3A_69 = tpu.memref_slice %arg26[%dma_wait3A_68] : memref<32064xf32, #tpu.memory_space<vmem>> -> memref<4004xf32, #tpu.memory_space<vmem>>
      %dma_wait3A_70 = arith.constant 16032 : i32
      %dma_wait3A_71 = tpu.memref_slice %arg26[%dma_wait3A_70] : memref<32064xf32, #tpu.memory_space<vmem>> -> memref<4004xf32, #tpu.memory_space<vmem>>
      tpu.wait_dma2 semaphore(%run_scoped3A : memref<!tpu.dma_semaphore, #tpu.memory_space<semaphore_mem>>) src(%arg16 : memref<4004xf32, #tpu.memory_space<hbm>>) dst(%dma_wait3A_71 : memref<4004xf32, #tpu.memory_space<vmem>>)
      tpu.yield
    }) : () -> ()
    "tpu.region"() ({
      %run_scoped3A = tpu.sem_alloc : memref<!tpu.dma_semaphore, #tpu.memory_space<semaphore_mem>>
      %dma_start3A_64 = arith.constant 20040 : i32
      %dma_start3A_65 = tpu.memref_slice %arg26[%dma_start3A_64] : memref<32064xf32, #tpu.memory_space<vmem>> -> memref<4004xf32, #tpu.memory_space<vmem>>
      %dma_start3A_66 = arith.constant 20040 : i32
      %dma_start3A_67 = tpu.memref_slice %arg26[%dma_start3A_66] : memref<32064xf32, #tpu.memory_space<vmem>> -> memref<4004xf32, #tpu.memory_space<vmem>>
      tpu.enqueue_dma source(%arg17 : memref<4004xf32, #tpu.memory_space<hbm>>) target(%dma_start3A_67 : memref<4004xf32, #tpu.memory_space<vmem>>) target_semaphore(%run_scoped3A : memref<!tpu.dma_semaphore, #tpu.memory_space<semaphore_mem>>)
      %dma_wait3A_68 = arith.constant 20040 : i32
      %dma_wait3A_69 = tpu.memref_slice %arg26[%dma_wait3A_68] : memref<32064xf32, #tpu.memory_space<vmem>> -> memref<4004xf32, #tpu.memory_space<vmem>>
      %dma_wait3A_70 = arith.constant 20040 : i32
      %dma_wait3A_71 = tpu.memref_slice %arg26[%dma_wait3A_70] : memref<32064xf32, #tpu.memory_space<vmem>> -> memref<4004xf32, #tpu.memory_space<vmem>>
      tpu.wait_dma2 semaphore(%run_scoped3A : memref<!tpu.dma_semaphore, #tpu.memory_space<semaphore_mem>>) src(%arg17 : memref<4004xf32, #tpu.memory_space<hbm>>) dst(%dma_wait3A_71 : memref<4004xf32, #tpu.memory_space<vmem>>)
      tpu.yield
    }) : () -> ()
    "tpu.region"() ({
      %run_scoped3A = tpu.sem_alloc : memref<!tpu.dma_semaphore, #tpu.memory_space<semaphore_mem>>
      %dma_start3A_64 = arith.constant 24048 : i32
      %dma_start3A_65 = tpu.memref_slice %arg26[%dma_start3A_64] : memref<32064xf32, #tpu.memory_space<vmem>> -> memref<4004xf32, #tpu.memory_space<vmem>>
      %dma_start3A_66 = arith.constant 24048 : i32
      %dma_start3A_67 = tpu.memref_slice %arg26[%dma_start3A_66] : memref<32064xf32, #tpu.memory_space<vmem>> -> memref<4004xf32, #tpu.memory_space<vmem>>
      tpu.enqueue_dma source(%arg18 : memref<4004xf32, #tpu.memory_space<hbm>>) target(%dma_start3A_67 : memref<4004xf32, #tpu.memory_space<vmem>>) target_semaphore(%run_scoped3A : memref<!tpu.dma_semaphore, #tpu.memory_space<semaphore_mem>>)
      %dma_wait3A_68 = arith.constant 24048 : i32
      %dma_wait3A_69 = tpu.memref_slice %arg26[%dma_wait3A_68] : memref<32064xf32, #tpu.memory_space<vmem>> -> memref<4004xf32, #tpu.memory_space<vmem>>
      %dma_wait3A_70 = arith.constant 24048 : i32
      %dma_wait3A_71 = tpu.memref_slice %arg26[%dma_wait3A_70] : memref<32064xf32, #tpu.memory_space<vmem>> -> memref<4004xf32, #tpu.memory_space<vmem>>
      tpu.wait_dma2 semaphore(%run_scoped3A : memref<!tpu.dma_semaphore, #tpu.memory_space<semaphore_mem>>) src(%arg18 : memref<4004xf32, #tpu.memory_space<hbm>>) dst(%dma_wait3A_71 : memref<4004xf32, #tpu.memory_space<vmem>>)
      tpu.yield
    }) : () -> ()
    "tpu.region"() ({
      %run_scoped3A = tpu.sem_alloc : memref<!tpu.dma_semaphore, #tpu.memory_space<semaphore_mem>>
      %dma_start3A_64 = arith.constant 28056 : i32
      %dma_start3A_65 = tpu.memref_slice %arg26[%dma_start3A_64] : memref<32064xf32, #tpu.memory_space<vmem>> -> memref<4004xf32, #tpu.memory_space<vmem>>
      %dma_start3A_66 = arith.constant 28056 : i32
      %dma_start3A_67 = tpu.memref_slice %arg26[%dma_start3A_66] : memref<32064xf32, #tpu.memory_space<vmem>> -> memref<4004xf32, #tpu.memory_space<vmem>>
      tpu.enqueue_dma source(%arg19 : memref<4004xf32, #tpu.memory_space<hbm>>) target(%dma_start3A_67 : memref<4004xf32, #tpu.memory_space<vmem>>) target_semaphore(%run_scoped3A : memref<!tpu.dma_semaphore, #tpu.memory_space<semaphore_mem>>)
      %dma_wait3A_68 = arith.constant 28056 : i32
      %dma_wait3A_69 = tpu.memref_slice %arg26[%dma_wait3A_68] : memref<32064xf32, #tpu.memory_space<vmem>> -> memref<4004xf32, #tpu.memory_space<vmem>>
      %dma_wait3A_70 = arith.constant 28056 : i32
      %dma_wait3A_71 = tpu.memref_slice %arg26[%dma_wait3A_70] : memref<32064xf32, #tpu.memory_space<vmem>> -> memref<4004xf32, #tpu.memory_space<vmem>>
      tpu.wait_dma2 semaphore(%run_scoped3A : memref<!tpu.dma_semaphore, #tpu.memory_space<semaphore_mem>>) src(%arg19 : memref<4004xf32, #tpu.memory_space<hbm>>) dst(%dma_wait3A_71 : memref<4004xf32, #tpu.memory_space<vmem>>)
      tpu.yield
    }) : () -> ()
    %scan3A_31 = arith.constant 0 : i32
    %scan3A_32 = arith.constant 0 : i32
    %scan3A_33 = arith.constant 32 : i32
    %scan3A_34 = arith.addi %scan3A_32, %scan3A_33 : i32
    %scan3A_35 = arith.constant 1 : i32
    scf.for %scan3A_64 = %scan3A_32 to %scan3A_34 step %scan3A_35  : i32 {
      %mul3A_65 = arith.constant 16 : i32
      %mul3A_66 = arith.muli %scan3A_64, %mul3A_65 : i32
      %add3A_67 = vector.broadcast %mul3A_66 : i32 to vector<16xi32>
      %add3A_68 = arith.addi %add3A_67, %iota3A : vector<16xi32>
      %mul3A_69 = arith.constant 16 : i32
      %mul3A_70 = vector.broadcast %mul3A_69 : i32 to vector<16xi32>
      %mul3A_71 = arith.muli %add3A_68, %mul3A_70 : vector<16xi32>
      %add3A_72 = arith.constant 0 : i32
      %add3A_73 = arith.addi %add3A_72, %mul3A_66 : i32
      %get3A = arith.index_cast %add3A_73 : i32 to index
      %get3A_74 = tpu.vector_load %arg25[%get3A] {strides = array<i32>} : memref<4096xi32, #tpu.memory_space<vmem>>, vector<16xi32>,
      %mul3A_75 = arith.constant 4 : i32
      %mul3A_76 = vector.broadcast %mul3A_75 : i32 to vector<16xi32>
      %mul3A_77 = arith.muli %get3A_74, %mul3A_76 : vector<16xi32>
      %add3A_78 = arith.constant 0 : i32
      %add3A_79 = vector.broadcast %add3A_78 : i32 to vector<16xi32>
      %add3A_80 = arith.addi %mul3A_77, %add3A_79 : vector<16xi32>
      %add3A_81 = arith.constant 0 : i32
      %add3A_82 = vector.broadcast %add3A_81 : i32 to vector<16xi32>
      %add3A_83 = arith.addi %add3A_80, %add3A_82 : vector<16xi32>
      %gather3A = tpu.vector_load_idx %arg26[%add3A_83] : memref<32064xf32, #tpu.memory_space<vmem>>[vector<16xi32>], vector<16xf32>,
      %add3A_84 = arith.constant 0 : i32
      %add3A_85 = vector.broadcast %add3A_84 : i32 to vector<16xi32>
      %add3A_86 = arith.addi %add3A_80, %add3A_85 : vector<16xi32>
      %add3A_87 = arith.constant 1 : i32
      %add3A_88 = vector.broadcast %add3A_87 : i32 to vector<16xi32>
      %add3A_89 = arith.addi %add3A_86, %add3A_88 : vector<16xi32>
      %gather3A_90 = tpu.vector_load_idx %arg26[%add3A_89] : memref<32064xf32, #tpu.memory_space<vmem>>[vector<16xi32>], vector<16xf32>,
      %bitcast3A = vector.bitcast %gather3A_90 : vector<16xf32> to vector<16xi32>
      %and3A = arith.constant -65536 : i32
      %and3A_91 = vector.broadcast %and3A : i32 to vector<16xi32>
      %and3A_92 = arith.andi %bitcast3A, %and3A_91 : vector<16xi32>
      %bitcast3A_93 = vector.bitcast %gather3A : vector<16xf32> to vector<16xi32>
      %shift_right_logical3A = arith.constant 16 : i32
      %shift_right_logical3A_94 = vector.broadcast %shift_right_logical3A : i32 to vector<16xi32>
      %shift_right_logical3A_95 = arith.shrui %bitcast3A_93, %shift_right_logical3A_94 : vector<16xi32>
      %or3A = arith.ori %and3A_92, %shift_right_logical3A_95 : vector<16xi32>
      %add3A_96 = arith.constant 0 : i32
      %add3A_97 = vector.broadcast %add3A_96 : i32 to vector<16xi32>
      %add3A_98 = arith.addi %mul3A_71, %add3A_97 : vector<16xi32>
      tpu.vector_store_idx %arg27[%add3A_98], %or3A : memref<8192xi32, #tpu.memory_space<vmem>>[vector<16xi32>], vector<16xi32>,
      %add3A_99 = arith.constant 2 : i32
      %add3A_100 = vector.broadcast %add3A_99 : i32 to vector<16xi32>
      %add3A_101 = arith.addi %add3A_80, %add3A_100 : vector<16xi32>
      %gather3A_102 = tpu.vector_load_idx %arg26[%add3A_101] : memref<32064xf32, #tpu.memory_space<vmem>>[vector<16xi32>], vector<16xf32>,
      %add3A_103 = arith.constant 2 : i32
      %add3A_104 = vector.broadcast %add3A_103 : i32 to vector<16xi32>
      %add3A_105 = arith.addi %add3A_80, %add3A_104 : vector<16xi32>
      %add3A_106 = arith.constant 1 : i32
      %add3A_107 = vector.broadcast %add3A_106 : i32 to vector<16xi32>
      %add3A_108 = arith.addi %add3A_105, %add3A_107 : vector<16xi32>
      %gather3A_109 = tpu.vector_load_idx %arg26[%add3A_108] : memref<32064xf32, #tpu.memory_space<vmem>>[vector<16xi32>], vector<16xf32>,
      %bitcast3A_110 = vector.bitcast %gather3A_109 : vector<16xf32> to vector<16xi32>
      %and3A_111 = arith.constant -65536 : i32
      %and3A_112 = vector.broadcast %and3A_111 : i32 to vector<16xi32>
      %and3A_113 = arith.andi %bitcast3A_110, %and3A_112 : vector<16xi32>
      %bitcast3A_114 = vector.bitcast %gather3A_102 : vector<16xf32> to vector<16xi32>
      %shift_right_logical3A_115 = arith.constant 16 : i32
      %shift_right_logical3A_116 = vector.broadcast %shift_right_logical3A_115 : i32 to vector<16xi32>
      %shift_right_logical3A_117 = arith.shrui %bitcast3A_114, %shift_right_logical3A_116 : vector<16xi32>
      %or3A_118 = arith.ori %and3A_113, %shift_right_logical3A_117 : vector<16xi32>
      %add3A_119 = arith.constant 1 : i32
      %add3A_120 = vector.broadcast %add3A_119 : i32 to vector<16xi32>
      %add3A_121 = arith.addi %mul3A_71, %add3A_120 : vector<16xi32>
      tpu.vector_store_idx %arg27[%add3A_121], %or3A_118 : memref<8192xi32, #tpu.memory_space<vmem>>[vector<16xi32>], vector<16xi32>,
      %add3A_122 = arith.constant 512 : i32
      %add3A_123 = arith.addi %add3A_122, %mul3A_66 : i32
      %get3A_124 = arith.index_cast %add3A_123 : i32 to index
      %get3A_125 = tpu.vector_load %arg25[%get3A_124] {strides = array<i32>} : memref<4096xi32, #tpu.memory_space<vmem>>, vector<16xi32>,
      %mul3A_126 = arith.constant 4 : i32
      %mul3A_127 = vector.broadcast %mul3A_126 : i32 to vector<16xi32>
      %mul3A_128 = arith.muli %get3A_125, %mul3A_127 : vector<16xi32>
      %add3A_129 = arith.constant 4008 : i32
      %add3A_130 = vector.broadcast %add3A_129 : i32 to vector<16xi32>
      %add3A_131 = arith.addi %mul3A_128, %add3A_130 : vector<16xi32>
      %add3A_132 = arith.constant 0 : i32
      %add3A_133 = vector.broadcast %add3A_132 : i32 to vector<16xi32>
      %add3A_134 = arith.addi %add3A_131, %add3A_133 : vector<16xi32>
      %gather3A_135 = tpu.vector_load_idx %arg26[%add3A_134] : memref<32064xf32, #tpu.memory_space<vmem>>[vector<16xi32>], vector<16xf32>,
      %add3A_136 = arith.constant 0 : i32
      %add3A_137 = vector.broadcast %add3A_136 : i32 to vector<16xi32>
      %add3A_138 = arith.addi %add3A_131, %add3A_137 : vector<16xi32>
      %add3A_139 = arith.constant 1 : i32
      %add3A_140 = vector.broadcast %add3A_139 : i32 to vector<16xi32>
      %add3A_141 = arith.addi %add3A_138, %add3A_140 : vector<16xi32>
      %gather3A_142 = tpu.vector_load_idx %arg26[%add3A_141] : memref<32064xf32, #tpu.memory_space<vmem>>[vector<16xi32>], vector<16xf32>,
      %bitcast3A_143 = vector.bitcast %gather3A_142 : vector<16xf32> to vector<16xi32>
      %and3A_144 = arith.constant -65536 : i32
      %and3A_145 = vector.broadcast %and3A_144 : i32 to vector<16xi32>
      %and3A_146 = arith.andi %bitcast3A_143, %and3A_145 : vector<16xi32>
      %bitcast3A_147 = vector.bitcast %gather3A_135 : vector<16xf32> to vector<16xi32>
      %shift_right_logical3A_148 = arith.constant 16 : i32
      %shift_right_logical3A_149 = vector.broadcast %shift_right_logical3A_148 : i32 to vector<16xi32>
      %shift_right_logical3A_150 = arith.shrui %bitcast3A_147, %shift_right_logical3A_149 : vector<16xi32>
      %or3A_151 = arith.ori %and3A_146, %shift_right_logical3A_150 : vector<16xi32>
      %add3A_152 = arith.constant 2 : i32
      %add3A_153 = vector.broadcast %add3A_152 : i32 to vector<16xi32>
      %add3A_154 = arith.addi %mul3A_71, %add3A_153 : vector<16xi32>
      tpu.vector_store_idx %arg27[%add3A_154], %or3A_151 : memref<8192xi32, #tpu.memory_space<vmem>>[vector<16xi32>], vector<16xi32>,
      %add3A_155 = arith.constant 2 : i32
      %add3A_156 = vector.broadcast %add3A_155 : i32 to vector<16xi32>
      %add3A_157 = arith.addi %add3A_131, %add3A_156 : vector<16xi32>
      %gather3A_158 = tpu.vector_load_idx %arg26[%add3A_157] : memref<32064xf32, #tpu.memory_space<vmem>>[vector<16xi32>], vector<16xf32>,
      %add3A_159 = arith.constant 2 : i32
      %add3A_160 = vector.broadcast %add3A_159 : i32 to vector<16xi32>
      %add3A_161 = arith.addi %add3A_131, %add3A_160 : vector<16xi32>
      %add3A_162 = arith.constant 1 : i32
      %add3A_163 = vector.broadcast %add3A_162 : i32 to vector<16xi32>
      %add3A_164 = arith.addi %add3A_161, %add3A_163 : vector<16xi32>
      %gather3A_165 = tpu.vector_load_idx %arg26[%add3A_164] : memref<32064xf32, #tpu.memory_space<vmem>>[vector<16xi32>], vector<16xf32>,
      %bitcast3A_166 = vector.bitcast %gather3A_165 : vector<16xf32> to vector<16xi32>
      %and3A_167 = arith.constant -65536 : i32
      %and3A_168 = vector.broadcast %and3A_167 : i32 to vector<16xi32>
      %and3A_169 = arith.andi %bitcast3A_166, %and3A_168 : vector<16xi32>
      %bitcast3A_170 = vector.bitcast %gather3A_158 : vector<16xf32> to vector<16xi32>
      %shift_right_logical3A_171 = arith.constant 16 : i32
      %shift_right_logical3A_172 = vector.broadcast %shift_right_logical3A_171 : i32 to vector<16xi32>
      %shift_right_logical3A_173 = arith.shrui %bitcast3A_170, %shift_right_logical3A_172 : vector<16xi32>
      %or3A_174 = arith.ori %and3A_169, %shift_right_logical3A_173 : vector<16xi32>
      %add3A_175 = arith.constant 3 : i32
      %add3A_176 = vector.broadcast %add3A_175 : i32 to vector<16xi32>
      %add3A_177 = arith.addi %mul3A_71, %add3A_176 : vector<16xi32>
      tpu.vector_store_idx %arg27[%add3A_177], %or3A_174 : memref<8192xi32, #tpu.memory_space<vmem>>[vector<16xi32>], vector<16xi32>,
      %add3A_178 = arith.constant 1024 : i32
      %add3A_179 = arith.addi %add3A_178, %mul3A_66 : i32
      %get3A_180 = arith.index_cast %add3A_179 : i32 to index
      %get3A_181 = tpu.vector_load %arg25[%get3A_180] {strides = array<i32>} : memref<4096xi32, #tpu.memory_space<vmem>>, vector<16xi32>,
      %mul3A_182 = arith.constant 4 : i32
      %mul3A_183 = vector.broadcast %mul3A_182 : i32 to vector<16xi32>
      %mul3A_184 = arith.muli %get3A_181, %mul3A_183 : vector<16xi32>
      %add3A_185 = arith.constant 8016 : i32
      %add3A_186 = vector.broadcast %add3A_185 : i32 to vector<16xi32>
      %add3A_187 = arith.addi %mul3A_184, %add3A_186 : vector<16xi32>
      %add3A_188 = arith.constant 0 : i32
      %add3A_189 = vector.broadcast %add3A_188 : i32 to vector<16xi32>
      %add3A_190 = arith.addi %add3A_187, %add3A_189 : vector<16xi32>
      %gather3A_191 = tpu.vector_load_idx %arg26[%add3A_190] : memref<32064xf32, #tpu.memory_space<vmem>>[vector<16xi32>], vector<16xf32>,
      %add3A_192 = arith.constant 0 : i32
      %add3A_193 = vector.broadcast %add3A_192 : i32 to vector<16xi32>
      %add3A_194 = arith.addi %add3A_187, %add3A_193 : vector<16xi32>
      %add3A_195 = arith.constant 1 : i32
      %add3A_196 = vector.broadcast %add3A_195 : i32 to vector<16xi32>
      %add3A_197 = arith.addi %add3A_194, %add3A_196 : vector<16xi32>
      %gather3A_198 = tpu.vector_load_idx %arg26[%add3A_197] : memref<32064xf32, #tpu.memory_space<vmem>>[vector<16xi32>], vector<16xf32>,
      %bitcast3A_199 = vector.bitcast %gather3A_198 : vector<16xf32> to vector<16xi32>
      %and3A_200 = arith.constant -65536 : i32
      %and3A_201 = vector.broadcast %and3A_200 : i32 to vector<16xi32>
      %and3A_202 = arith.andi %bitcast3A_199, %and3A_201 : vector<16xi32>
      %bitcast3A_203 = vector.bitcast %gather3A_191 : vector<16xf32> to vector<16xi32>
      %shift_right_logical3A_204 = arith.constant 16 : i32
      %shift_right_logical3A_205 = vector.broadcast %shift_right_logical3A_204 : i32 to vector<16xi32>
      %shift_right_logical3A_206 = arith.shrui %bitcast3A_203, %shift_right_logical3A_205 : vector<16xi32>
      %or3A_207 = arith.ori %and3A_202, %shift_right_logical3A_206 : vector<16xi32>
      %add3A_208 = arith.constant 4 : i32
      %add3A_209 = vector.broadcast %add3A_208 : i32 to vector<16xi32>
      %add3A_210 = arith.addi %mul3A_71, %add3A_209 : vector<16xi32>
      tpu.vector_store_idx %arg27[%add3A_210], %or3A_207 : memref<8192xi32, #tpu.memory_space<vmem>>[vector<16xi32>], vector<16xi32>,
      %add3A_211 = arith.constant 2 : i32
      %add3A_212 = vector.broadcast %add3A_211 : i32 to vector<16xi32>
      %add3A_213 = arith.addi %add3A_187, %add3A_212 : vector<16xi32>
      %gather3A_214 = tpu.vector_load_idx %arg26[%add3A_213] : memref<32064xf32, #tpu.memory_space<vmem>>[vector<16xi32>], vector<16xf32>,
      %add3A_215 = arith.constant 2 : i32
      %add3A_216 = vector.broadcast %add3A_215 : i32 to vector<16xi32>
      %add3A_217 = arith.addi %add3A_187, %add3A_216 : vector<16xi32>
      %add3A_218 = arith.constant 1 : i32
      %add3A_219 = vector.broadcast %add3A_218 : i32 to vector<16xi32>
      %add3A_220 = arith.addi %add3A_217, %add3A_219 : vector<16xi32>
      %gather3A_221 = tpu.vector_load_idx %arg26[%add3A_220] : memref<32064xf32, #tpu.memory_space<vmem>>[vector<16xi32>], vector<16xf32>,
      %bitcast3A_222 = vector.bitcast %gather3A_221 : vector<16xf32> to vector<16xi32>
      %and3A_223 = arith.constant -65536 : i32
      %and3A_224 = vector.broadcast %and3A_223 : i32 to vector<16xi32>
      %and3A_225 = arith.andi %bitcast3A_222, %and3A_224 : vector<16xi32>
      %bitcast3A_226 = vector.bitcast %gather3A_214 : vector<16xf32> to vector<16xi32>
      %shift_right_logical3A_227 = arith.constant 16 : i32
      %shift_right_logical3A_228 = vector.broadcast %shift_right_logical3A_227 : i32 to vector<16xi32>
      %shift_right_logical3A_229 = arith.shrui %bitcast3A_226, %shift_right_logical3A_228 : vector<16xi32>
      %or3A_230 = arith.ori %and3A_225, %shift_right_logical3A_229 : vector<16xi32>
      %add3A_231 = arith.constant 5 : i32
      %add3A_232 = vector.broadcast %add3A_231 : i32 to vector<16xi32>
      %add3A_233 = arith.addi %mul3A_71, %add3A_232 : vector<16xi32>
      tpu.vector_store_idx %arg27[%add3A_233], %or3A_230 : memref<8192xi32, #tpu.memory_space<vmem>>[vector<16xi32>], vector<16xi32>,
      %add3A_234 = arith.constant 1536 : i32
      %add3A_235 = arith.addi %add3A_234, %mul3A_66 : i32
      %get3A_236 = arith.index_cast %add3A_235 : i32 to index
      %get3A_237 = tpu.vector_load %arg25[%get3A_236] {strides = array<i32>} : memref<4096xi32, #tpu.memory_space<vmem>>, vector<16xi32>,
      %mul3A_238 = arith.constant 4 : i32
      %mul3A_239 = vector.broadcast %mul3A_238 : i32 to vector<16xi32>
      %mul3A_240 = arith.muli %get3A_237, %mul3A_239 : vector<16xi32>
      %add3A_241 = arith.constant 12024 : i32
      %add3A_242 = vector.broadcast %add3A_241 : i32 to vector<16xi32>
      %add3A_243 = arith.addi %mul3A_240, %add3A_242 : vector<16xi32>
      %add3A_244 = arith.constant 0 : i32
      %add3A_245 = vector.broadcast %add3A_244 : i32 to vector<16xi32>
      %add3A_246 = arith.addi %add3A_243, %add3A_245 : vector<16xi32>
      %gather3A_247 = tpu.vector_load_idx %arg26[%add3A_246] : memref<32064xf32, #tpu.memory_space<vmem>>[vector<16xi32>], vector<16xf32>,
      %add3A_248 = arith.constant 0 : i32
      %add3A_249 = vector.broadcast %add3A_248 : i32 to vector<16xi32>
      %add3A_250 = arith.addi %add3A_243, %add3A_249 : vector<16xi32>
      %add3A_251 = arith.constant 1 : i32
      %add3A_252 = vector.broadcast %add3A_251 : i32 to vector<16xi32>
      %add3A_253 = arith.addi %add3A_250, %add3A_252 : vector<16xi32>
      %gather3A_254 = tpu.vector_load_idx %arg26[%add3A_253] : memref<32064xf32, #tpu.memory_space<vmem>>[vector<16xi32>], vector<16xf32>,
      %bitcast3A_255 = vector.bitcast %gather3A_254 : vector<16xf32> to vector<16xi32>
      %and3A_256 = arith.constant -65536 : i32
      %and3A_257 = vector.broadcast %and3A_256 : i32 to vector<16xi32>
      %and3A_258 = arith.andi %bitcast3A_255, %and3A_257 : vector<16xi32>
      %bitcast3A_259 = vector.bitcast %gather3A_247 : vector<16xf32> to vector<16xi32>
      %shift_right_logical3A_260 = arith.constant 16 : i32
      %shift_right_logical3A_261 = vector.broadcast %shift_right_logical3A_260 : i32 to vector<16xi32>
      %shift_right_logical3A_262 = arith.shrui %bitcast3A_259, %shift_right_logical3A_261 : vector<16xi32>
      %or3A_263 = arith.ori %and3A_258, %shift_right_logical3A_262 : vector<16xi32>
      %add3A_264 = arith.constant 6 : i32
      %add3A_265 = vector.broadcast %add3A_264 : i32 to vector<16xi32>
      %add3A_266 = arith.addi %mul3A_71, %add3A_265 : vector<16xi32>
      tpu.vector_store_idx %arg27[%add3A_266], %or3A_263 : memref<8192xi32, #tpu.memory_space<vmem>>[vector<16xi32>], vector<16xi32>,
      %add3A_267 = arith.constant 2 : i32
      %add3A_268 = vector.broadcast %add3A_267 : i32 to vector<16xi32>
      %add3A_269 = arith.addi %add3A_243, %add3A_268 : vector<16xi32>
      %gather3A_270 = tpu.vector_load_idx %arg26[%add3A_269] : memref<32064xf32, #tpu.memory_space<vmem>>[vector<16xi32>], vector<16xf32>,
      %add3A_271 = arith.constant 2 : i32
      %add3A_272 = vector.broadcast %add3A_271 : i32 to vector<16xi32>
      %add3A_273 = arith.addi %add3A_243, %add3A_272 : vector<16xi32>
      %add3A_274 = arith.constant 1 : i32
      %add3A_275 = vector.broadcast %add3A_274 : i32 to vector<16xi32>
      %add3A_276 = arith.addi %add3A_273, %add3A_275 : vector<16xi32>
      %gather3A_277 = tpu.vector_load_idx %arg26[%add3A_276] : memref<32064xf32, #tpu.memory_space<vmem>>[vector<16xi32>], vector<16xf32>,
      %bitcast3A_278 = vector.bitcast %gather3A_277 : vector<16xf32> to vector<16xi32>
      %and3A_279 = arith.constant -65536 : i32
      %and3A_280 = vector.broadcast %and3A_279 : i32 to vector<16xi32>
      %and3A_281 = arith.andi %bitcast3A_278, %and3A_280 : vector<16xi32>
      %bitcast3A_282 = vector.bitcast %gather3A_270 : vector<16xf32> to vector<16xi32>
      %shift_right_logical3A_283 = arith.constant 16 : i32
      %shift_right_logical3A_284 = vector.broadcast %shift_right_logical3A_283 : i32 to vector<16xi32>
      %shift_right_logical3A_285 = arith.shrui %bitcast3A_282, %shift_right_logical3A_284 : vector<16xi32>
      %or3A_286 = arith.ori %and3A_281, %shift_right_logical3A_285 : vector<16xi32>
      %add3A_287 = arith.constant 7 : i32
      %add3A_288 = vector.broadcast %add3A_287 : i32 to vector<16xi32>
      %add3A_289 = arith.addi %mul3A_71, %add3A_288 : vector<16xi32>
      tpu.vector_store_idx %arg27[%add3A_289], %or3A_286 : memref<8192xi32, #tpu.memory_space<vmem>>[vector<16xi32>], vector<16xi32>,
      %add3A_290 = arith.constant 2048 : i32
      %add3A_291 = arith.addi %add3A_290, %mul3A_66 : i32
      %get3A_292 = arith.index_cast %add3A_291 : i32 to index
      %get3A_293 = tpu.vector_load %arg25[%get3A_292] {strides = array<i32>} : memref<4096xi32, #tpu.memory_space<vmem>>, vector<16xi32>,
      %mul3A_294 = arith.constant 4 : i32
      %mul3A_295 = vector.broadcast %mul3A_294 : i32 to vector<16xi32>
      %mul3A_296 = arith.muli %get3A_293, %mul3A_295 : vector<16xi32>
      %add3A_297 = arith.constant 16032 : i32
      %add3A_298 = vector.broadcast %add3A_297 : i32 to vector<16xi32>
      %add3A_299 = arith.addi %mul3A_296, %add3A_298 : vector<16xi32>
      %add3A_300 = arith.constant 0 : i32
      %add3A_301 = vector.broadcast %add3A_300 : i32 to vector<16xi32>
      %add3A_302 = arith.addi %add3A_299, %add3A_301 : vector<16xi32>
      %gather3A_303 = tpu.vector_load_idx %arg26[%add3A_302] : memref<32064xf32, #tpu.memory_space<vmem>>[vector<16xi32>], vector<16xf32>,
      %add3A_304 = arith.constant 0 : i32
      %add3A_305 = vector.broadcast %add3A_304 : i32 to vector<16xi32>
      %add3A_306 = arith.addi %add3A_299, %add3A_305 : vector<16xi32>
      %add3A_307 = arith.constant 1 : i32
      %add3A_308 = vector.broadcast %add3A_307 : i32 to vector<16xi32>
      %add3A_309 = arith.addi %add3A_306, %add3A_308 : vector<16xi32>
      %gather3A_310 = tpu.vector_load_idx %arg26[%add3A_309] : memref<32064xf32, #tpu.memory_space<vmem>>[vector<16xi32>], vector<16xf32>,
      %bitcast3A_311 = vector.bitcast %gather3A_310 : vector<16xf32> to vector<16xi32>
      %and3A_312 = arith.constant -65536 : i32
      %and3A_313 = vector.broadcast %and3A_312 : i32 to vector<16xi32>
      %and3A_314 = arith.andi %bitcast3A_311, %and3A_313 : vector<16xi32>
      %bitcast3A_315 = vector.bitcast %gather3A_303 : vector<16xf32> to vector<16xi32>
      %shift_right_logical3A_316 = arith.constant 16 : i32
      %shift_right_logical3A_317 = vector.broadcast %shift_right_logical3A_316 : i32 to vector<16xi32>
      %shift_right_logical3A_318 = arith.shrui %bitcast3A_315, %shift_right_logical3A_317 : vector<16xi32>
      %or3A_319 = arith.ori %and3A_314, %shift_right_logical3A_318 : vector<16xi32>
      %add3A_320 = arith.constant 8 : i32
      %add3A_321 = vector.broadcast %add3A_320 : i32 to vector<16xi32>
      %add3A_322 = arith.addi %mul3A_71, %add3A_321 : vector<16xi32>
      tpu.vector_store_idx %arg27[%add3A_322], %or3A_319 : memref<8192xi32, #tpu.memory_space<vmem>>[vector<16xi32>], vector<16xi32>,
      %add3A_323 = arith.constant 2 : i32
      %add3A_324 = vector.broadcast %add3A_323 : i32 to vector<16xi32>
      %add3A_325 = arith.addi %add3A_299, %add3A_324 : vector<16xi32>
      %gather3A_326 = tpu.vector_load_idx %arg26[%add3A_325] : memref<32064xf32, #tpu.memory_space<vmem>>[vector<16xi32>], vector<16xf32>,
      %add3A_327 = arith.constant 2 : i32
      %add3A_328 = vector.broadcast %add3A_327 : i32 to vector<16xi32>
      %add3A_329 = arith.addi %add3A_299, %add3A_328 : vector<16xi32>
      %add3A_330 = arith.constant 1 : i32
      %add3A_331 = vector.broadcast %add3A_330 : i32 to vector<16xi32>
      %add3A_332 = arith.addi %add3A_329, %add3A_331 : vector<16xi32>
      %gather3A_333 = tpu.vector_load_idx %arg26[%add3A_332] : memref<32064xf32, #tpu.memory_space<vmem>>[vector<16xi32>], vector<16xf32>,
      %bitcast3A_334 = vector.bitcast %gather3A_333 : vector<16xf32> to vector<16xi32>
      %and3A_335 = arith.constant -65536 : i32
      %and3A_336 = vector.broadcast %and3A_335 : i32 to vector<16xi32>
      %and3A_337 = arith.andi %bitcast3A_334, %and3A_336 : vector<16xi32>
      %bitcast3A_338 = vector.bitcast %gather3A_326 : vector<16xf32> to vector<16xi32>
      %shift_right_logical3A_339 = arith.constant 16 : i32
      %shift_right_logical3A_340 = vector.broadcast %shift_right_logical3A_339 : i32 to vector<16xi32>
      %shift_right_logical3A_341 = arith.shrui %bitcast3A_338, %shift_right_logical3A_340 : vector<16xi32>
      %or3A_342 = arith.ori %and3A_337, %shift_right_logical3A_341 : vector<16xi32>
      %add3A_343 = arith.constant 9 : i32
      %add3A_344 = vector.broadcast %add3A_343 : i32 to vector<16xi32>
      %add3A_345 = arith.addi %mul3A_71, %add3A_344 : vector<16xi32>
      tpu.vector_store_idx %arg27[%add3A_345], %or3A_342 : memref<8192xi32, #tpu.memory_space<vmem>>[vector<16xi32>], vector<16xi32>,
      %add3A_346 = arith.constant 2560 : i32
      %add3A_347 = arith.addi %add3A_346, %mul3A_66 : i32
      %get3A_348 = arith.index_cast %add3A_347 : i32 to index
      %get3A_349 = tpu.vector_load %arg25[%get3A_348] {strides = array<i32>} : memref<4096xi32, #tpu.memory_space<vmem>>, vector<16xi32>,
      %mul3A_350 = arith.constant 4 : i32
      %mul3A_351 = vector.broadcast %mul3A_350 : i32 to vector<16xi32>
      %mul3A_352 = arith.muli %get3A_349, %mul3A_351 : vector<16xi32>
      %add3A_353 = arith.constant 20040 : i32
      %add3A_354 = vector.broadcast %add3A_353 : i32 to vector<16xi32>
      %add3A_355 = arith.addi %mul3A_352, %add3A_354 : vector<16xi32>
      %add3A_356 = arith.constant 0 : i32
      %add3A_357 = vector.broadcast %add3A_356 : i32 to vector<16xi32>
      %add3A_358 = arith.addi %add3A_355, %add3A_357 : vector<16xi32>
      %gather3A_359 = tpu.vector_load_idx %arg26[%add3A_358] : memref<32064xf32, #tpu.memory_space<vmem>>[vector<16xi32>], vector<16xf32>,
      %add3A_360 = arith.constant 0 : i32
      %add3A_361 = vector.broadcast %add3A_360 : i32 to vector<16xi32>
      %add3A_362 = arith.addi %add3A_355, %add3A_361 : vector<16xi32>
      %add3A_363 = arith.constant 1 : i32
      %add3A_364 = vector.broadcast %add3A_363 : i32 to vector<16xi32>
      %add3A_365 = arith.addi %add3A_362, %add3A_364 : vector<16xi32>
      %gather3A_366 = tpu.vector_load_idx %arg26[%add3A_365] : memref<32064xf32, #tpu.memory_space<vmem>>[vector<16xi32>], vector<16xf32>,
      %bitcast3A_367 = vector.bitcast %gather3A_366 : vector<16xf32> to vector<16xi32>
      %and3A_368 = arith.constant -65536 : i32
      %and3A_369 = vector.broadcast %and3A_368 : i32 to vector<16xi32>
      %and3A_370 = arith.andi %bitcast3A_367, %and3A_369 : vector<16xi32>
      %bitcast3A_371 = vector.bitcast %gather3A_359 : vector<16xf32> to vector<16xi32>
      %shift_right_logical3A_372 = arith.constant 16 : i32
      %shift_right_logical3A_373 = vector.broadcast %shift_right_logical3A_372 : i32 to vector<16xi32>
      %shift_right_logical3A_374 = arith.shrui %bitcast3A_371, %shift_right_logical3A_373 : vector<16xi32>
      %or3A_375 = arith.ori %and3A_370, %shift_right_logical3A_374 : vector<16xi32>
      %add3A_376 = arith.constant 10 : i32
      %add3A_377 = vector.broadcast %add3A_376 : i32 to vector<16xi32>
      %add3A_378 = arith.addi %mul3A_71, %add3A_377 : vector<16xi32>
      tpu.vector_store_idx %arg27[%add3A_378], %or3A_375 : memref<8192xi32, #tpu.memory_space<vmem>>[vector<16xi32>], vector<16xi32>,
      %add3A_379 = arith.constant 2 : i32
      %add3A_380 = vector.broadcast %add3A_379 : i32 to vector<16xi32>
      %add3A_381 = arith.addi %add3A_355, %add3A_380 : vector<16xi32>
      %gather3A_382 = tpu.vector_load_idx %arg26[%add3A_381] : memref<32064xf32, #tpu.memory_space<vmem>>[vector<16xi32>], vector<16xf32>,
      %add3A_383 = arith.constant 2 : i32
      %add3A_384 = vector.broadcast %add3A_383 : i32 to vector<16xi32>
      %add3A_385 = arith.addi %add3A_355, %add3A_384 : vector<16xi32>
      %add3A_386 = arith.constant 1 : i32
      %add3A_387 = vector.broadcast %add3A_386 : i32 to vector<16xi32>
      %add3A_388 = arith.addi %add3A_385, %add3A_387 : vector<16xi32>
      %gather3A_389 = tpu.vector_load_idx %arg26[%add3A_388] : memref<32064xf32, #tpu.memory_space<vmem>>[vector<16xi32>], vector<16xf32>,
      %bitcast3A_390 = vector.bitcast %gather3A_389 : vector<16xf32> to vector<16xi32>
      %and3A_391 = arith.constant -65536 : i32
      %and3A_392 = vector.broadcast %and3A_391 : i32 to vector<16xi32>
      %and3A_393 = arith.andi %bitcast3A_390, %and3A_392 : vector<16xi32>
      %bitcast3A_394 = vector.bitcast %gather3A_382 : vector<16xf32> to vector<16xi32>
      %shift_right_logical3A_395 = arith.constant 16 : i32
      %shift_right_logical3A_396 = vector.broadcast %shift_right_logical3A_395 : i32 to vector<16xi32>
      %shift_right_logical3A_397 = arith.shrui %bitcast3A_394, %shift_right_logical3A_396 : vector<16xi32>
      %or3A_398 = arith.ori %and3A_393, %shift_right_logical3A_397 : vector<16xi32>
      %add3A_399 = arith.constant 11 : i32
      %add3A_400 = vector.broadcast %add3A_399 : i32 to vector<16xi32>
      %add3A_401 = arith.addi %mul3A_71, %add3A_400 : vector<16xi32>
      tpu.vector_store_idx %arg27[%add3A_401], %or3A_398 : memref<8192xi32, #tpu.memory_space<vmem>>[vector<16xi32>], vector<16xi32>,
      %add3A_402 = arith.constant 3072 : i32
      %add3A_403 = arith.addi %add3A_402, %mul3A_66 : i32
      %get3A_404 = arith.index_cast %add3A_403 : i32 to index
      %get3A_405 = tpu.vector_load %arg25[%get3A_404] {strides = array<i32>} : memref<4096xi32, #tpu.memory_space<vmem>>, vector<16xi32>,
      %mul3A_406 = arith.constant 4 : i32
      %mul3A_407 = vector.broadcast %mul3A_406 : i32 to vector<16xi32>
      %mul3A_408 = arith.muli %get3A_405, %mul3A_407 : vector<16xi32>
      %add3A_409 = arith.constant 24048 : i32
      %add3A_410 = vector.broadcast %add3A_409 : i32 to vector<16xi32>
      %add3A_411 = arith.addi %mul3A_408, %add3A_410 : vector<16xi32>
      %add3A_412 = arith.constant 0 : i32
      %add3A_413 = vector.broadcast %add3A_412 : i32 to vector<16xi32>
      %add3A_414 = arith.addi %add3A_411, %add3A_413 : vector<16xi32>
      %gather3A_415 = tpu.vector_load_idx %arg26[%add3A_414] : memref<32064xf32, #tpu.memory_space<vmem>>[vector<16xi32>], vector<16xf32>,
      %add3A_416 = arith.constant 0 : i32
      %add3A_417 = vector.broadcast %add3A_416 : i32 to vector<16xi32>
      %add3A_418 = arith.addi %add3A_411, %add3A_417 : vector<16xi32>
      %add3A_419 = arith.constant 1 : i32
      %add3A_420 = vector.broadcast %add3A_419 : i32 to vector<16xi32>
      %add3A_421 = arith.addi %add3A_418, %add3A_420 : vector<16xi32>
      %gather3A_422 = tpu.vector_load_idx %arg26[%add3A_421] : memref<32064xf32, #tpu.memory_space<vmem>>[vector<16xi32>], vector<16xf32>,
      %bitcast3A_423 = vector.bitcast %gather3A_422 : vector<16xf32> to vector<16xi32>
      %and3A_424 = arith.constant -65536 : i32
      %and3A_425 = vector.broadcast %and3A_424 : i32 to vector<16xi32>
      %and3A_426 = arith.andi %bitcast3A_423, %and3A_425 : vector<16xi32>
      %bitcast3A_427 = vector.bitcast %gather3A_415 : vector<16xf32> to vector<16xi32>
      %shift_right_logical3A_428 = arith.constant 16 : i32
      %shift_right_logical3A_429 = vector.broadcast %shift_right_logical3A_428 : i32 to vector<16xi32>
      %shift_right_logical3A_430 = arith.shrui %bitcast3A_427, %shift_right_logical3A_429 : vector<16xi32>
      %or3A_431 = arith.ori %and3A_426, %shift_right_logical3A_430 : vector<16xi32>
      %add3A_432 = arith.constant 12 : i32
      %add3A_433 = vector.broadcast %add3A_432 : i32 to vector<16xi32>
      %add3A_434 = arith.addi %mul3A_71, %add3A_433 : vector<16xi32>
      tpu.vector_store_idx %arg27[%add3A_434], %or3A_431 : memref<8192xi32, #tpu.memory_space<vmem>>[vector<16xi32>], vector<16xi32>,
      %add3A_435 = arith.constant 2 : i32
      %add3A_436 = vector.broadcast %add3A_435 : i32 to vector<16xi32>
      %add3A_437 = arith.addi %add3A_411, %add3A_436 : vector<16xi32>
      %gather3A_438 = tpu.vector_load_idx %arg26[%add3A_437] : memref<32064xf32, #tpu.memory_space<vmem>>[vector<16xi32>], vector<16xf32>,
      %add3A_439 = arith.constant 2 : i32
      %add3A_440 = vector.broadcast %add3A_439 : i32 to vector<16xi32>
      %add3A_441 = arith.addi %add3A_411, %add3A_440 : vector<16xi32>
      %add3A_442 = arith.constant 1 : i32
      %add3A_443 = vector.broadcast %add3A_442 : i32 to vector<16xi32>
      %add3A_444 = arith.addi %add3A_441, %add3A_443 : vector<16xi32>
      %gather3A_445 = tpu.vector_load_idx %arg26[%add3A_444] : memref<32064xf32, #tpu.memory_space<vmem>>[vector<16xi32>], vector<16xf32>,
      %bitcast3A_446 = vector.bitcast %gather3A_445 : vector<16xf32> to vector<16xi32>
      %and3A_447 = arith.constant -65536 : i32
      %and3A_448 = vector.broadcast %and3A_447 : i32 to vector<16xi32>
      %and3A_449 = arith.andi %bitcast3A_446, %and3A_448 : vector<16xi32>
      %bitcast3A_450 = vector.bitcast %gather3A_438 : vector<16xf32> to vector<16xi32>
      %shift_right_logical3A_451 = arith.constant 16 : i32
      %shift_right_logical3A_452 = vector.broadcast %shift_right_logical3A_451 : i32 to vector<16xi32>
      %shift_right_logical3A_453 = arith.shrui %bitcast3A_450, %shift_right_logical3A_452 : vector<16xi32>
      %or3A_454 = arith.ori %and3A_449, %shift_right_logical3A_453 : vector<16xi32>
      %add3A_455 = arith.constant 13 : i32
      %add3A_456 = vector.broadcast %add3A_455 : i32 to vector<16xi32>
      %add3A_457 = arith.addi %mul3A_71, %add3A_456 : vector<16xi32>
      tpu.vector_store_idx %arg27[%add3A_457], %or3A_454 : memref<8192xi32, #tpu.memory_space<vmem>>[vector<16xi32>], vector<16xi32>,
      %add3A_458 = arith.constant 3584 : i32
      %add3A_459 = arith.addi %add3A_458, %mul3A_66 : i32
      %get3A_460 = arith.index_cast %add3A_459 : i32 to index
      %get3A_461 = tpu.vector_load %arg25[%get3A_460] {strides = array<i32>} : memref<4096xi32, #tpu.memory_space<vmem>>, vector<16xi32>,
      %mul3A_462 = arith.constant 4 : i32
      %mul3A_463 = vector.broadcast %mul3A_462 : i32 to vector<16xi32>
      %mul3A_464 = arith.muli %get3A_461, %mul3A_463 : vector<16xi32>
      %add3A_465 = arith.constant 28056 : i32
      %add3A_466 = vector.broadcast %add3A_465 : i32 to vector<16xi32>
      %add3A_467 = arith.addi %mul3A_464, %add3A_466 : vector<16xi32>
      %add3A_468 = arith.constant 0 : i32
      %add3A_469 = vector.broadcast %add3A_468 : i32 to vector<16xi32>
      %add3A_470 = arith.addi %add3A_467, %add3A_469 : vector<16xi32>
      %gather3A_471 = tpu.vector_load_idx %arg26[%add3A_470] : memref<32064xf32, #tpu.memory_space<vmem>>[vector<16xi32>], vector<16xf32>,
      %add3A_472 = arith.constant 0 : i32
      %add3A_473 = vector.broadcast %add3A_472 : i32 to vector<16xi32>
      %add3A_474 = arith.addi %add3A_467, %add3A_473 : vector<16xi32>
      %add3A_475 = arith.constant 1 : i32
      %add3A_476 = vector.broadcast %add3A_475 : i32 to vector<16xi32>
      %add3A_477 = arith.addi %add3A_474, %add3A_476 : vector<16xi32>
      %gather3A_478 = tpu.vector_load_idx %arg26[%add3A_477] : memref<32064xf32, #tpu.memory_space<vmem>>[vector<16xi32>], vector<16xf32>,
      %bitcast3A_479 = vector.bitcast %gather3A_478 : vector<16xf32> to vector<16xi32>
      %and3A_480 = arith.constant -65536 : i32
      %and3A_481 = vector.broadcast %and3A_480 : i32 to vector<16xi32>
      %and3A_482 = arith.andi %bitcast3A_479, %and3A_481 : vector<16xi32>
      %bitcast3A_483 = vector.bitcast %gather3A_471 : vector<16xf32> to vector<16xi32>
      %shift_right_logical3A_484 = arith.constant 16 : i32
      %shift_right_logical3A_485 = vector.broadcast %shift_right_logical3A_484 : i32 to vector<16xi32>
      %shift_right_logical3A_486 = arith.shrui %bitcast3A_483, %shift_right_logical3A_485 : vector<16xi32>
      %or3A_487 = arith.ori %and3A_482, %shift_right_logical3A_486 : vector<16xi32>
      %add3A_488 = arith.constant 14 : i32
      %add3A_489 = vector.broadcast %add3A_488 : i32 to vector<16xi32>
      %add3A_490 = arith.addi %mul3A_71, %add3A_489 : vector<16xi32>
      tpu.vector_store_idx %arg27[%add3A_490], %or3A_487 : memref<8192xi32, #tpu.memory_space<vmem>>[vector<16xi32>], vector<16xi32>,
      %add3A_491 = arith.constant 2 : i32
      %add3A_492 = vector.broadcast %add3A_491 : i32 to vector<16xi32>
      %add3A_493 = arith.addi %add3A_467, %add3A_492 : vector<16xi32>
      %gather3A_494 = tpu.vector_load_idx %arg26[%add3A_493] : memref<32064xf32, #tpu.memory_space<vmem>>[vector<16xi32>], vector<16xf32>,
      %add3A_495 = arith.constant 2 : i32
      %add3A_496 = vector.broadcast %add3A_495 : i32 to vector<16xi32>
      %add3A_497 = arith.addi %add3A_467, %add3A_496 : vector<16xi32>
      %add3A_498 = arith.constant 1 : i32
      %add3A_499 = vector.broadcast %add3A_498 : i32 to vector<16xi32>
      %add3A_500 = arith.addi %add3A_497, %add3A_499 : vector<16xi32>
      %gather3A_501 = tpu.vector_load_idx %arg26[%add3A_500] : memref<32064xf32, #tpu.memory_space<vmem>>[vector<16xi32>], vector<16xf32>,
      %bitcast3A_502 = vector.bitcast %gather3A_501 : vector<16xf32> to vector<16xi32>
      %and3A_503 = arith.constant -65536 : i32
      %and3A_504 = vector.broadcast %and3A_503 : i32 to vector<16xi32>
      %and3A_505 = arith.andi %bitcast3A_502, %and3A_504 : vector<16xi32>
      %bitcast3A_506 = vector.bitcast %gather3A_494 : vector<16xf32> to vector<16xi32>
      %shift_right_logical3A_507 = arith.constant 16 : i32
      %shift_right_logical3A_508 = vector.broadcast %shift_right_logical3A_507 : i32 to vector<16xi32>
      %shift_right_logical3A_509 = arith.shrui %bitcast3A_506, %shift_right_logical3A_508 : vector<16xi32>
      %or3A_510 = arith.ori %and3A_505, %shift_right_logical3A_509 : vector<16xi32>
      %add3A_511 = arith.constant 15 : i32
      %add3A_512 = vector.broadcast %add3A_511 : i32 to vector<16xi32>
      %add3A_513 = arith.addi %mul3A_71, %add3A_512 : vector<16xi32>
      tpu.vector_store_idx %arg27[%add3A_513], %or3A_510 : memref<8192xi32, #tpu.memory_space<vmem>>[vector<16xi32>], vector<16xi32>,
    }
    %scan3A_36 = arith.constant 32 : i32
    %dma_wait3A = arith.constant 0 : i32
    %dma_wait3A_37 = tpu.memref_slice %arg24[%dma_wait3A] : memref<8192xi32, #tpu.memory_space<vmem>> -> memref<2048xi32, #tpu.memory_space<vmem>>
    %dma_wait3A_38 = arith.constant 0 : i32
    %dma_wait3A_39 = tpu.memref_slice %arg23[%dma_wait3A_38] : memref<8192xi32, #tpu.memory_space<vmem>> -> memref<2048xi32, #tpu.memory_space<vmem>>
    %dma_wait3A_40 = arith.constant 0 : i32
    %dma_wait3A_41 = tpu.memref_slice %arg11[%dma_wait3A_40] : memref<2097152xi32, #tpu.memory_space<hbm>> -> memref<2097152xi32, #tpu.memory_space<hbm>>
    tpu.wait_indirect_dma semaphore(%arg28 : memref<!tpu.dma_semaphore, #tpu.memory_space<semaphore_mem>>) src(%dma_wait3A_41 : memref<2097152xi32, #tpu.memory_space<hbm>>) dst(%dma_wait3A_37 : memref<2048xi32, #tpu.memory_space<vmem>>)
    %dma_wait3A_42 = arith.constant 2048 : i32
    %dma_wait3A_43 = tpu.memref_slice %arg24[%dma_wait3A_42] : memref<8192xi32, #tpu.memory_space<vmem>> -> memref<2048xi32, #tpu.memory_space<vmem>>
    %dma_wait3A_44 = arith.constant 2048 : i32
    %dma_wait3A_45 = tpu.memref_slice %arg23[%dma_wait3A_44] : memref<8192xi32, #tpu.memory_space<vmem>> -> memref<2048xi32, #tpu.memory_space<vmem>>
    %dma_wait3A_46 = arith.constant 0 : i32
    %dma_wait3A_47 = tpu.memref_slice %arg11[%dma_wait3A_46] : memref<2097152xi32, #tpu.memory_space<hbm>> -> memref<2097152xi32, #tpu.memory_space<hbm>>
    tpu.wait_indirect_dma semaphore(%arg28 : memref<!tpu.dma_semaphore, #tpu.memory_space<semaphore_mem>>) src(%dma_wait3A_47 : memref<2097152xi32, #tpu.memory_space<hbm>>) dst(%dma_wait3A_43 : memref<2048xi32, #tpu.memory_space<vmem>>)
    %dma_wait3A_48 = arith.constant 4096 : i32
    %dma_wait3A_49 = tpu.memref_slice %arg24[%dma_wait3A_48] : memref<8192xi32, #tpu.memory_space<vmem>> -> memref<2048xi32, #tpu.memory_space<vmem>>
    %dma_wait3A_50 = arith.constant 4096 : i32
    %dma_wait3A_51 = tpu.memref_slice %arg23[%dma_wait3A_50] : memref<8192xi32, #tpu.memory_space<vmem>> -> memref<2048xi32, #tpu.memory_space<vmem>>
    %dma_wait3A_52 = arith.constant 0 : i32
    %dma_wait3A_53 = tpu.memref_slice %arg11[%dma_wait3A_52] : memref<2097152xi32, #tpu.memory_space<hbm>> -> memref<2097152xi32, #tpu.memory_space<hbm>>
    tpu.wait_indirect_dma semaphore(%arg28 : memref<!tpu.dma_semaphore, #tpu.memory_space<semaphore_mem>>) src(%dma_wait3A_53 : memref<2097152xi32, #tpu.memory_space<hbm>>) dst(%dma_wait3A_49 : memref<2048xi32, #tpu.memory_space<vmem>>)
    %dma_wait3A_54 = arith.constant 6144 : i32
    %dma_wait3A_55 = tpu.memref_slice %arg24[%dma_wait3A_54] : memref<8192xi32, #tpu.memory_space<vmem>> -> memref<2048xi32, #tpu.memory_space<vmem>>
    %dma_wait3A_56 = arith.constant 6144 : i32
    %dma_wait3A_57 = tpu.memref_slice %arg23[%dma_wait3A_56] : memref<8192xi32, #tpu.memory_space<vmem>> -> memref<2048xi32, #tpu.memory_space<vmem>>
    %dma_wait3A_58 = arith.constant 0 : i32
    %dma_wait3A_59 = tpu.memref_slice %arg11[%dma_wait3A_58] : memref<2097152xi32, #tpu.memory_space<hbm>> -> memref<2097152xi32, #tpu.memory_space<hbm>>
    tpu.wait_indirect_dma semaphore(%arg28 : memref<!tpu.dma_semaphore, #tpu.memory_space<semaphore_mem>>) src(%dma_wait3A_59 : memref<2097152xi32, #tpu.memory_space<hbm>>) dst(%dma_wait3A_55 : memref<2048xi32, #tpu.memory_space<vmem>>)
    %mul3A_60 = arith.constant 8192 : i32
    %mul3A_61 = arith.muli %add3A, %mul3A_60 : i32
    "tpu.region"() ({
      %run_scoped3A = tpu.sem_alloc : memref<!tpu.dma_semaphore, #tpu.memory_space<semaphore_mem>>
      %dma_start3A_64 = tpu.memref_slice %arg20[%mul3A_61] : memref<262144xi32, #tpu.memory_space<hbm>> -> memref<8192xi32, #tpu.memory_space<hbm>>
      %dma_start3A_65 = tpu.memref_slice %arg20[%mul3A_61] : memref<262144xi32, #tpu.memory_space<hbm>> -> memref<8192xi32, #tpu.memory_space<hbm>>
      tpu.enqueue_dma source(%arg24 : memref<8192xi32, #tpu.memory_space<vmem>>) target(%dma_start3A_65 : memref<8192xi32, #tpu.memory_space<hbm>>) target_semaphore(%run_scoped3A : memref<!tpu.dma_semaphore, #tpu.memory_space<semaphore_mem>>)
      %dma_wait3A_66 = tpu.memref_slice %arg20[%mul3A_61] : memref<262144xi32, #tpu.memory_space<hbm>> -> memref<8192xi32, #tpu.memory_space<hbm>>
      %dma_wait3A_67 = tpu.memref_slice %arg20[%mul3A_61] : memref<262144xi32, #tpu.memory_space<hbm>> -> memref<8192xi32, #tpu.memory_space<hbm>>
      tpu.wait_dma2 semaphore(%run_scoped3A : memref<!tpu.dma_semaphore, #tpu.memory_space<semaphore_mem>>) src(%arg24 : memref<8192xi32, #tpu.memory_space<vmem>>) dst(%dma_wait3A_67 : memref<8192xi32, #tpu.memory_space<hbm>>)
      tpu.yield
    }) : () -> ()
    %mul3A_62 = arith.constant 8192 : i32
    %mul3A_63 = arith.muli %add3A, %mul3A_62 : i32
    "tpu.region"() ({
      %run_scoped3A = tpu.sem_alloc : memref<!tpu.dma_semaphore, #tpu.memory_space<semaphore_mem>>
      %dma_start3A_64 = tpu.memref_slice %arg21[%mul3A_63] : memref<262144xi32, #tpu.memory_space<hbm>> -> memref<8192xi32, #tpu.memory_space<hbm>>
      %dma_start3A_65 = tpu.memref_slice %arg21[%mul3A_63] : memref<262144xi32, #tpu.memory_space<hbm>> -> memref<8192xi32, #tpu.memory_space<hbm>>
      tpu.enqueue_dma source(%arg27 : memref<8192xi32, #tpu.memory_space<vmem>>) target(%dma_start3A_65 : memref<8192xi32, #tpu.memory_space<hbm>>) target_semaphore(%run_scoped3A : memref<!tpu.dma_semaphore, #tpu.memory_space<semaphore_mem>>)
      %dma_wait3A_66 = tpu.memref_slice %arg21[%mul3A_63] : memref<262144xi32, #tpu.memory_space<hbm>> -> memref<8192xi32, #tpu.memory_space<hbm>>
      %dma_wait3A_67 = tpu.memref_slice %arg21[%mul3A_63] : memref<262144xi32, #tpu.memory_space<hbm>> -> memref<8192xi32, #tpu.memory_space<hbm>>
      tpu.wait_dma2 semaphore(%run_scoped3A : memref<!tpu.dma_semaphore, #tpu.memory_space<semaphore_mem>>) src(%arg27 : memref<8192xi32, #tpu.memory_space<vmem>>) dst(%dma_wait3A_67 : memref<8192xi32, #tpu.memory_space<hbm>>)
      tpu.yield
    }) : () -> ()
    return
  }
}

#map = affine_map<(d0, d1) -> (0)>
module attributes {stable_mosaic.version = 14 : i64} {
  func.func @k(%arg0: i32, %arg1: i32, %arg2: memref<16384xi32, #tpu.memory_space<hbm>>, %arg3: memref<16252928xi32, #tpu.memory_space<hbm>>, %arg4: memref<262144xi32, #tpu.memory_space<hbm>>, %arg5: memref<512xi32, #tpu.memory_space<vmem>>, %arg6: memref<8192xi32, #tpu.memory_space<vmem>>, %arg7: memref<8192xi32, #tpu.memory_space<vmem>>, %arg8: memref<!tpu.dma_semaphore, #tpu.memory_space<semaphore_mem>>) attributes {dimension_semantics = [#tpu.dimension_semantics<core_parallel>, #tpu.dimension_semantics<subcore_parallel>], iteration_bounds = array<i64: 2, 16>, scalar_prefetch = 0 : i64, scratch_operands = 4 : i64, tpu.core_type = #tpu.core_type<sc_vector_subcore>, window_params = [{transform_indices = #map}, {transform_indices = #map}, {transform_indices = #map}]} {
    %mul3A = arith.constant 2 : i32
    %mul3A_0 = arith.muli %arg1, %mul3A : i32
    %add3A = arith.addi %mul3A_0, %arg0 : i32
    %mul3A_1 = arith.constant 512 : i32
    %mul3A_2 = arith.muli %add3A, %mul3A_1 : i32
    "tpu.region"() ({
      %run_scoped3A = tpu.sem_alloc : memref<!tpu.dma_semaphore, #tpu.memory_space<semaphore_mem>>
      %dma_start3A_56 = tpu.memref_slice %arg2[%mul3A_2] : memref<16384xi32, #tpu.memory_space<hbm>> -> memref<512xi32, #tpu.memory_space<hbm>>
      %dma_start3A_57 = tpu.memref_slice %arg2[%mul3A_2] : memref<16384xi32, #tpu.memory_space<hbm>> -> memref<512xi32, #tpu.memory_space<hbm>>
      tpu.enqueue_dma source(%dma_start3A_57 : memref<512xi32, #tpu.memory_space<hbm>>) target(%arg5 : memref<512xi32, #tpu.memory_space<vmem>>) target_semaphore(%run_scoped3A : memref<!tpu.dma_semaphore, #tpu.memory_space<semaphore_mem>>)
      %dma_wait3A_58 = tpu.memref_slice %arg2[%mul3A_2] : memref<16384xi32, #tpu.memory_space<hbm>> -> memref<512xi32, #tpu.memory_space<hbm>>
      %dma_wait3A_59 = tpu.memref_slice %arg2[%mul3A_2] : memref<16384xi32, #tpu.memory_space<hbm>> -> memref<512xi32, #tpu.memory_space<hbm>>
      tpu.wait_dma2 semaphore(%run_scoped3A : memref<!tpu.dma_semaphore, #tpu.memory_space<semaphore_mem>>) src(%dma_wait3A_59 : memref<512xi32, #tpu.memory_space<hbm>>) dst(%arg5 : memref<512xi32, #tpu.memory_space<vmem>>)
      tpu.yield
    }) : () -> ()
    %iota3A = tpu.iota {dimensions = array<i32: 0>} : vector<16xi32>
    %scan3A = arith.constant 0 : i32
    %scan3A_3 = arith.constant 0 : i32
    %scan3A_4 = arith.constant 32 : i32
    %scan3A_5 = arith.addi %scan3A_3, %scan3A_4 : i32
    %scan3A_6 = arith.constant 1 : i32
    scf.for %scan3A_56 = %scan3A_3 to %scan3A_5 step %scan3A_6  : i32 {
      %mul3A_57 = arith.constant 16 : i32
      %mul3A_58 = arith.muli %scan3A_56, %mul3A_57 : i32
      %add3A_59 = vector.broadcast %mul3A_58 : i32 to vector<16xi32>
      %add3A_60 = arith.addi %add3A_59, %iota3A : vector<16xi32>
      %mul3A_61 = arith.constant 16 : i32
      %mul3A_62 = vector.broadcast %mul3A_61 : i32 to vector<16xi32>
      %mul3A_63 = arith.muli %add3A_60, %mul3A_62 : vector<16xi32>
      %get3A = arith.index_cast %mul3A_58 : i32 to index
      %get3A_64 = tpu.vector_load %arg5[%get3A] {strides = array<i32>} : memref<512xi32, #tpu.memory_space<vmem>>, vector<16xi32>,
      %shift_right_arithmetic3A = arith.constant 15 : i32
      %shift_right_arithmetic3A_65 = vector.broadcast %shift_right_arithmetic3A : i32 to vector<16xi32>
      %shift_right_arithmetic3A_66 = arith.shrsi %get3A_64, %shift_right_arithmetic3A_65 : vector<16xi32>
      %mul3A_67 = arith.constant 524288 : i32
      %mul3A_68 = vector.broadcast %mul3A_67 : i32 to vector<16xi32>
      %mul3A_69 = arith.muli %shift_right_arithmetic3A_66, %mul3A_68 : vector<16xi32>
      %and3A = arith.constant 32767 : i32
      %and3A_70 = vector.broadcast %and3A : i32 to vector<16xi32>
      %and3A_71 = arith.andi %get3A_64, %and3A_70 : vector<16xi32>
      %add3A_72 = arith.addi %mul3A_69, %and3A_71 : vector<16xi32>
      %add3A_73 = arith.constant 0 : i32
      %add3A_74 = vector.broadcast %add3A_73 : i32 to vector<16xi32>
      %add3A_75 = arith.addi %mul3A_63, %add3A_74 : vector<16xi32>
      %add3A_76 = arith.constant 0 : i32
      %add3A_77 = vector.broadcast %add3A_76 : i32 to vector<16xi32>
      %add3A_78 = arith.addi %add3A_72, %add3A_77 : vector<16xi32>
      tpu.vector_store_idx %arg6[%add3A_75], %add3A_78 : memref<8192xi32, #tpu.memory_space<vmem>>[vector<16xi32>], vector<16xi32>,
      %add3A_79 = arith.constant 1 : i32
      %add3A_80 = vector.broadcast %add3A_79 : i32 to vector<16xi32>
      %add3A_81 = arith.addi %mul3A_63, %add3A_80 : vector<16xi32>
      %add3A_82 = arith.constant 32768 : i32
      %add3A_83 = vector.broadcast %add3A_82 : i32 to vector<16xi32>
      %add3A_84 = arith.addi %add3A_72, %add3A_83 : vector<16xi32>
      tpu.vector_store_idx %arg6[%add3A_81], %add3A_84 : memref<8192xi32, #tpu.memory_space<vmem>>[vector<16xi32>], vector<16xi32>,
      %add3A_85 = arith.constant 2 : i32
      %add3A_86 = vector.broadcast %add3A_85 : i32 to vector<16xi32>
      %add3A_87 = arith.addi %mul3A_63, %add3A_86 : vector<16xi32>
      %add3A_88 = arith.constant 65536 : i32
      %add3A_89 = vector.broadcast %add3A_88 : i32 to vector<16xi32>
      %add3A_90 = arith.addi %add3A_72, %add3A_89 : vector<16xi32>
      tpu.vector_store_idx %arg6[%add3A_87], %add3A_90 : memref<8192xi32, #tpu.memory_space<vmem>>[vector<16xi32>], vector<16xi32>,
      %add3A_91 = arith.constant 3 : i32
      %add3A_92 = vector.broadcast %add3A_91 : i32 to vector<16xi32>
      %add3A_93 = arith.addi %mul3A_63, %add3A_92 : vector<16xi32>
      %add3A_94 = arith.constant 98304 : i32
      %add3A_95 = vector.broadcast %add3A_94 : i32 to vector<16xi32>
      %add3A_96 = arith.addi %add3A_72, %add3A_95 : vector<16xi32>
      tpu.vector_store_idx %arg6[%add3A_93], %add3A_96 : memref<8192xi32, #tpu.memory_space<vmem>>[vector<16xi32>], vector<16xi32>,
      %add3A_97 = arith.constant 4 : i32
      %add3A_98 = vector.broadcast %add3A_97 : i32 to vector<16xi32>
      %add3A_99 = arith.addi %mul3A_63, %add3A_98 : vector<16xi32>
      %add3A_100 = arith.constant 131072 : i32
      %add3A_101 = vector.broadcast %add3A_100 : i32 to vector<16xi32>
      %add3A_102 = arith.addi %add3A_72, %add3A_101 : vector<16xi32>
      tpu.vector_store_idx %arg6[%add3A_99], %add3A_102 : memref<8192xi32, #tpu.memory_space<vmem>>[vector<16xi32>], vector<16xi32>,
      %add3A_103 = arith.constant 5 : i32
      %add3A_104 = vector.broadcast %add3A_103 : i32 to vector<16xi32>
      %add3A_105 = arith.addi %mul3A_63, %add3A_104 : vector<16xi32>
      %add3A_106 = arith.constant 163840 : i32
      %add3A_107 = vector.broadcast %add3A_106 : i32 to vector<16xi32>
      %add3A_108 = arith.addi %add3A_72, %add3A_107 : vector<16xi32>
      tpu.vector_store_idx %arg6[%add3A_105], %add3A_108 : memref<8192xi32, #tpu.memory_space<vmem>>[vector<16xi32>], vector<16xi32>,
      %add3A_109 = arith.constant 6 : i32
      %add3A_110 = vector.broadcast %add3A_109 : i32 to vector<16xi32>
      %add3A_111 = arith.addi %mul3A_63, %add3A_110 : vector<16xi32>
      %add3A_112 = arith.constant 196608 : i32
      %add3A_113 = vector.broadcast %add3A_112 : i32 to vector<16xi32>
      %add3A_114 = arith.addi %add3A_72, %add3A_113 : vector<16xi32>
      tpu.vector_store_idx %arg6[%add3A_111], %add3A_114 : memref<8192xi32, #tpu.memory_space<vmem>>[vector<16xi32>], vector<16xi32>,
      %add3A_115 = arith.constant 7 : i32
      %add3A_116 = vector.broadcast %add3A_115 : i32 to vector<16xi32>
      %add3A_117 = arith.addi %mul3A_63, %add3A_116 : vector<16xi32>
      %add3A_118 = arith.constant 229376 : i32
      %add3A_119 = vector.broadcast %add3A_118 : i32 to vector<16xi32>
      %add3A_120 = arith.addi %add3A_72, %add3A_119 : vector<16xi32>
      tpu.vector_store_idx %arg6[%add3A_117], %add3A_120 : memref<8192xi32, #tpu.memory_space<vmem>>[vector<16xi32>], vector<16xi32>,
      %add3A_121 = arith.constant 8 : i32
      %add3A_122 = vector.broadcast %add3A_121 : i32 to vector<16xi32>
      %add3A_123 = arith.addi %mul3A_63, %add3A_122 : vector<16xi32>
      %add3A_124 = arith.constant 262144 : i32
      %add3A_125 = vector.broadcast %add3A_124 : i32 to vector<16xi32>
      %add3A_126 = arith.addi %add3A_72, %add3A_125 : vector<16xi32>
      tpu.vector_store_idx %arg6[%add3A_123], %add3A_126 : memref<8192xi32, #tpu.memory_space<vmem>>[vector<16xi32>], vector<16xi32>,
      %add3A_127 = arith.constant 9 : i32
      %add3A_128 = vector.broadcast %add3A_127 : i32 to vector<16xi32>
      %add3A_129 = arith.addi %mul3A_63, %add3A_128 : vector<16xi32>
      %add3A_130 = arith.constant 294912 : i32
      %add3A_131 = vector.broadcast %add3A_130 : i32 to vector<16xi32>
      %add3A_132 = arith.addi %add3A_72, %add3A_131 : vector<16xi32>
      tpu.vector_store_idx %arg6[%add3A_129], %add3A_132 : memref<8192xi32, #tpu.memory_space<vmem>>[vector<16xi32>], vector<16xi32>,
      %add3A_133 = arith.constant 10 : i32
      %add3A_134 = vector.broadcast %add3A_133 : i32 to vector<16xi32>
      %add3A_135 = arith.addi %mul3A_63, %add3A_134 : vector<16xi32>
      %add3A_136 = arith.constant 327680 : i32
      %add3A_137 = vector.broadcast %add3A_136 : i32 to vector<16xi32>
      %add3A_138 = arith.addi %add3A_72, %add3A_137 : vector<16xi32>
      tpu.vector_store_idx %arg6[%add3A_135], %add3A_138 : memref<8192xi32, #tpu.memory_space<vmem>>[vector<16xi32>], vector<16xi32>,
      %add3A_139 = arith.constant 11 : i32
      %add3A_140 = vector.broadcast %add3A_139 : i32 to vector<16xi32>
      %add3A_141 = arith.addi %mul3A_63, %add3A_140 : vector<16xi32>
      %add3A_142 = arith.constant 360448 : i32
      %add3A_143 = vector.broadcast %add3A_142 : i32 to vector<16xi32>
      %add3A_144 = arith.addi %add3A_72, %add3A_143 : vector<16xi32>
      tpu.vector_store_idx %arg6[%add3A_141], %add3A_144 : memref<8192xi32, #tpu.memory_space<vmem>>[vector<16xi32>], vector<16xi32>,
      %add3A_145 = arith.constant 12 : i32
      %add3A_146 = vector.broadcast %add3A_145 : i32 to vector<16xi32>
      %add3A_147 = arith.addi %mul3A_63, %add3A_146 : vector<16xi32>
      %add3A_148 = arith.constant 393216 : i32
      %add3A_149 = vector.broadcast %add3A_148 : i32 to vector<16xi32>
      %add3A_150 = arith.addi %add3A_72, %add3A_149 : vector<16xi32>
      tpu.vector_store_idx %arg6[%add3A_147], %add3A_150 : memref<8192xi32, #tpu.memory_space<vmem>>[vector<16xi32>], vector<16xi32>,
      %add3A_151 = arith.constant 13 : i32
      %add3A_152 = vector.broadcast %add3A_151 : i32 to vector<16xi32>
      %add3A_153 = arith.addi %mul3A_63, %add3A_152 : vector<16xi32>
      %add3A_154 = arith.constant 425984 : i32
      %add3A_155 = vector.broadcast %add3A_154 : i32 to vector<16xi32>
      %add3A_156 = arith.addi %add3A_72, %add3A_155 : vector<16xi32>
      tpu.vector_store_idx %arg6[%add3A_153], %add3A_156 : memref<8192xi32, #tpu.memory_space<vmem>>[vector<16xi32>], vector<16xi32>,
      %add3A_157 = arith.constant 14 : i32
      %add3A_158 = vector.broadcast %add3A_157 : i32 to vector<16xi32>
      %add3A_159 = arith.addi %mul3A_63, %add3A_158 : vector<16xi32>
      %add3A_160 = arith.constant 458752 : i32
      %add3A_161 = vector.broadcast %add3A_160 : i32 to vector<16xi32>
      %add3A_162 = arith.addi %add3A_72, %add3A_161 : vector<16xi32>
      tpu.vector_store_idx %arg6[%add3A_159], %add3A_162 : memref<8192xi32, #tpu.memory_space<vmem>>[vector<16xi32>], vector<16xi32>,
      %add3A_163 = arith.constant 15 : i32
      %add3A_164 = vector.broadcast %add3A_163 : i32 to vector<16xi32>
      %add3A_165 = arith.addi %mul3A_63, %add3A_164 : vector<16xi32>
      %add3A_166 = arith.constant 491520 : i32
      %add3A_167 = vector.broadcast %add3A_166 : i32 to vector<16xi32>
      %add3A_168 = arith.addi %add3A_72, %add3A_167 : vector<16xi32>
      tpu.vector_store_idx %arg6[%add3A_165], %add3A_168 : memref<8192xi32, #tpu.memory_space<vmem>>[vector<16xi32>], vector<16xi32>,
    }
    %scan3A_7 = arith.constant 32 : i32
    %dma_start3A = arith.constant 0 : i32
    %dma_start3A_8 = tpu.memref_slice %arg7[%dma_start3A] : memref<8192xi32, #tpu.memory_space<vmem>> -> memref<2048xi32, #tpu.memory_space<vmem>>
    %dma_start3A_9 = arith.constant 0 : i32
    %dma_start3A_10 = tpu.memref_slice %arg6[%dma_start3A_9] : memref<8192xi32, #tpu.memory_space<vmem>> -> memref<2048xi32, #tpu.memory_space<vmem>>
    %dma_start3A_11 = arith.constant 0 : i32
    %dma_start3A_12 = tpu.memref_slice %arg3[%dma_start3A_11] : memref<16252928xi32, #tpu.memory_space<hbm>> -> memref<16252928xi32, #tpu.memory_space<hbm>>
    tpu.enqueue_indirect_dma source(%dma_start3A_12 : memref<16252928xi32, #tpu.memory_space<hbm>>) target(%dma_start3A_8 : memref<2048xi32, #tpu.memory_space<vmem>>) offsets(%dma_start3A_10 : memref<2048xi32, #tpu.memory_space<vmem>>) semaphore(%arg8 : memref<!tpu.dma_semaphore, #tpu.memory_space<semaphore_mem>>)
    %dma_start3A_13 = arith.constant 2048 : i32
    %dma_start3A_14 = tpu.memref_slice %arg7[%dma_start3A_13] : memref<8192xi32, #tpu.memory_space<vmem>> -> memref<2048xi32, #tpu.memory_space<vmem>>
    %dma_start3A_15 = arith.constant 2048 : i32
    %dma_start3A_16 = tpu.memref_slice %arg6[%dma_start3A_15] : memref<8192xi32, #tpu.memory_space<vmem>> -> memref<2048xi32, #tpu.memory_space<vmem>>
    %dma_start3A_17 = arith.constant 0 : i32
    %dma_start3A_18 = tpu.memref_slice %arg3[%dma_start3A_17] : memref<16252928xi32, #tpu.memory_space<hbm>> -> memref<16252928xi32, #tpu.memory_space<hbm>>
    tpu.enqueue_indirect_dma source(%dma_start3A_18 : memref<16252928xi32, #tpu.memory_space<hbm>>) target(%dma_start3A_14 : memref<2048xi32, #tpu.memory_space<vmem>>) offsets(%dma_start3A_16 : memref<2048xi32, #tpu.memory_space<vmem>>) semaphore(%arg8 : memref<!tpu.dma_semaphore, #tpu.memory_space<semaphore_mem>>)
    %dma_start3A_19 = arith.constant 4096 : i32
    %dma_start3A_20 = tpu.memref_slice %arg7[%dma_start3A_19] : memref<8192xi32, #tpu.memory_space<vmem>> -> memref<2048xi32, #tpu.memory_space<vmem>>
    %dma_start3A_21 = arith.constant 4096 : i32
    %dma_start3A_22 = tpu.memref_slice %arg6[%dma_start3A_21] : memref<8192xi32, #tpu.memory_space<vmem>> -> memref<2048xi32, #tpu.memory_space<vmem>>
    %dma_start3A_23 = arith.constant 0 : i32
    %dma_start3A_24 = tpu.memref_slice %arg3[%dma_start3A_23] : memref<16252928xi32, #tpu.memory_space<hbm>> -> memref<16252928xi32, #tpu.memory_space<hbm>>
    tpu.enqueue_indirect_dma source(%dma_start3A_24 : memref<16252928xi32, #tpu.memory_space<hbm>>) target(%dma_start3A_20 : memref<2048xi32, #tpu.memory_space<vmem>>) offsets(%dma_start3A_22 : memref<2048xi32, #tpu.memory_space<vmem>>) semaphore(%arg8 : memref<!tpu.dma_semaphore, #tpu.memory_space<semaphore_mem>>)
    %dma_start3A_25 = arith.constant 6144 : i32
    %dma_start3A_26 = tpu.memref_slice %arg7[%dma_start3A_25] : memref<8192xi32, #tpu.memory_space<vmem>> -> memref<2048xi32, #tpu.memory_space<vmem>>
    %dma_start3A_27 = arith.constant 6144 : i32
    %dma_start3A_28 = tpu.memref_slice %arg6[%dma_start3A_27] : memref<8192xi32, #tpu.memory_space<vmem>> -> memref<2048xi32, #tpu.memory_space<vmem>>
    %dma_start3A_29 = arith.constant 0 : i32
    %dma_start3A_30 = tpu.memref_slice %arg3[%dma_start3A_29] : memref<16252928xi32, #tpu.memory_space<hbm>> -> memref<16252928xi32, #tpu.memory_space<hbm>>
    tpu.enqueue_indirect_dma source(%dma_start3A_30 : memref<16252928xi32, #tpu.memory_space<hbm>>) target(%dma_start3A_26 : memref<2048xi32, #tpu.memory_space<vmem>>) offsets(%dma_start3A_28 : memref<2048xi32, #tpu.memory_space<vmem>>) semaphore(%arg8 : memref<!tpu.dma_semaphore, #tpu.memory_space<semaphore_mem>>)
    %dma_wait3A = arith.constant 0 : i32
    %dma_wait3A_31 = tpu.memref_slice %arg7[%dma_wait3A] : memref<8192xi32, #tpu.memory_space<vmem>> -> memref<2048xi32, #tpu.memory_space<vmem>>
    %dma_wait3A_32 = arith.constant 0 : i32
    %dma_wait3A_33 = tpu.memref_slice %arg6[%dma_wait3A_32] : memref<8192xi32, #tpu.memory_space<vmem>> -> memref<2048xi32, #tpu.memory_space<vmem>>
    %dma_wait3A_34 = arith.constant 0 : i32
    %dma_wait3A_35 = tpu.memref_slice %arg3[%dma_wait3A_34] : memref<16252928xi32, #tpu.memory_space<hbm>> -> memref<16252928xi32, #tpu.memory_space<hbm>>
    tpu.wait_indirect_dma semaphore(%arg8 : memref<!tpu.dma_semaphore, #tpu.memory_space<semaphore_mem>>) src(%dma_wait3A_35 : memref<16252928xi32, #tpu.memory_space<hbm>>) dst(%dma_wait3A_31 : memref<2048xi32, #tpu.memory_space<vmem>>)
    %dma_wait3A_36 = arith.constant 2048 : i32
    %dma_wait3A_37 = tpu.memref_slice %arg7[%dma_wait3A_36] : memref<8192xi32, #tpu.memory_space<vmem>> -> memref<2048xi32, #tpu.memory_space<vmem>>
    %dma_wait3A_38 = arith.constant 2048 : i32
    %dma_wait3A_39 = tpu.memref_slice %arg6[%dma_wait3A_38] : memref<8192xi32, #tpu.memory_space<vmem>> -> memref<2048xi32, #tpu.memory_space<vmem>>
    %dma_wait3A_40 = arith.constant 0 : i32
    %dma_wait3A_41 = tpu.memref_slice %arg3[%dma_wait3A_40] : memref<16252928xi32, #tpu.memory_space<hbm>> -> memref<16252928xi32, #tpu.memory_space<hbm>>
    tpu.wait_indirect_dma semaphore(%arg8 : memref<!tpu.dma_semaphore, #tpu.memory_space<semaphore_mem>>) src(%dma_wait3A_41 : memref<16252928xi32, #tpu.memory_space<hbm>>) dst(%dma_wait3A_37 : memref<2048xi32, #tpu.memory_space<vmem>>)
    %dma_wait3A_42 = arith.constant 4096 : i32
    %dma_wait3A_43 = tpu.memref_slice %arg7[%dma_wait3A_42] : memref<8192xi32, #tpu.memory_space<vmem>> -> memref<2048xi32, #tpu.memory_space<vmem>>
    %dma_wait3A_44 = arith.constant 4096 : i32
    %dma_wait3A_45 = tpu.memref_slice %arg6[%dma_wait3A_44] : memref<8192xi32, #tpu.memory_space<vmem>> -> memref<2048xi32, #tpu.memory_space<vmem>>
    %dma_wait3A_46 = arith.constant 0 : i32
    %dma_wait3A_47 = tpu.memref_slice %arg3[%dma_wait3A_46] : memref<16252928xi32, #tpu.memory_space<hbm>> -> memref<16252928xi32, #tpu.memory_space<hbm>>
    tpu.wait_indirect_dma semaphore(%arg8 : memref<!tpu.dma_semaphore, #tpu.memory_space<semaphore_mem>>) src(%dma_wait3A_47 : memref<16252928xi32, #tpu.memory_space<hbm>>) dst(%dma_wait3A_43 : memref<2048xi32, #tpu.memory_space<vmem>>)
    %dma_wait3A_48 = arith.constant 6144 : i32
    %dma_wait3A_49 = tpu.memref_slice %arg7[%dma_wait3A_48] : memref<8192xi32, #tpu.memory_space<vmem>> -> memref<2048xi32, #tpu.memory_space<vmem>>
    %dma_wait3A_50 = arith.constant 6144 : i32
    %dma_wait3A_51 = tpu.memref_slice %arg6[%dma_wait3A_50] : memref<8192xi32, #tpu.memory_space<vmem>> -> memref<2048xi32, #tpu.memory_space<vmem>>
    %dma_wait3A_52 = arith.constant 0 : i32
    %dma_wait3A_53 = tpu.memref_slice %arg3[%dma_wait3A_52] : memref<16252928xi32, #tpu.memory_space<hbm>> -> memref<16252928xi32, #tpu.memory_space<hbm>>
    tpu.wait_indirect_dma semaphore(%arg8 : memref<!tpu.dma_semaphore, #tpu.memory_space<semaphore_mem>>) src(%dma_wait3A_53 : memref<16252928xi32, #tpu.memory_space<hbm>>) dst(%dma_wait3A_49 : memref<2048xi32, #tpu.memory_space<vmem>>)
    %mul3A_54 = arith.constant 8192 : i32
    %mul3A_55 = arith.muli %add3A, %mul3A_54 : i32
    "tpu.region"() ({
      %run_scoped3A = tpu.sem_alloc : memref<!tpu.dma_semaphore, #tpu.memory_space<semaphore_mem>>
      %dma_start3A_56 = tpu.memref_slice %arg4[%mul3A_55] : memref<262144xi32, #tpu.memory_space<hbm>> -> memref<8192xi32, #tpu.memory_space<hbm>>
      %dma_start3A_57 = tpu.memref_slice %arg4[%mul3A_55] : memref<262144xi32, #tpu.memory_space<hbm>> -> memref<8192xi32, #tpu.memory_space<hbm>>
      tpu.enqueue_dma source(%arg7 : memref<8192xi32, #tpu.memory_space<vmem>>) target(%dma_start3A_57 : memref<8192xi32, #tpu.memory_space<hbm>>) target_semaphore(%run_scoped3A : memref<!tpu.dma_semaphore, #tpu.memory_space<semaphore_mem>>)
      %dma_wait3A_58 = tpu.memref_slice %arg4[%mul3A_55] : memref<262144xi32, #tpu.memory_space<hbm>> -> memref<8192xi32, #tpu.memory_space<hbm>>
      %dma_wait3A_59 = tpu.memref_slice %arg4[%mul3A_55] : memref<262144xi32, #tpu.memory_space<hbm>> -> memref<8192xi32, #tpu.memory_space<hbm>>
      tpu.wait_dma2 semaphore(%run_scoped3A : memref<!tpu.dma_semaphore, #tpu.memory_space<semaphore_mem>>) src(%arg7 : memref<8192xi32, #tpu.memory_space<vmem>>) dst(%dma_wait3A_59 : memref<8192xi32, #tpu.memory_space<hbm>>)
      tpu.yield
    }) : () -> ()
    return
  }
}

module attributes {stable_mosaic.version = 14 : i64} {
  func.func @body(%arg0: i32, %arg1: memref<32x32768xf32, #tpu.memory_space<vmem>>, %arg2: memref<16x32xf32, #tpu.memory_space<vmem>>, %arg3: memref<16x32xf32, #tpu.memory_space<vmem>>, %arg4: memref<524288xi32, #tpu.memory_space<vmem>>) attributes {dimension_semantics = [#tpu.dimension_semantics<arbitrary>], iteration_bounds = array<i64: 31>, scalar_prefetch = 0 : i64, scratch_operands = 0 : i64, tpu.core_type = #tpu.core_type<tc>, window_params = [{transform_indices = @transform_0, window_bounds = array<i64: 32, 32768>}, {pipeline_mode = #tpu.pipeline_mode<synchronous>, transform_indices = @transform_1, window_bounds = array<i64: 16, 32>}, {pipeline_mode = #tpu.pipeline_mode<synchronous>, transform_indices = @transform_2, window_bounds = array<i64: 16, 32>}, {transform_indices = @transform_3, window_bounds = array<i64: 524288>}]} {
    %get3A = arith.constant 0 : index
    %get3A_0 = arith.constant 0 : index
    %get3A_1 = vector.load %arg1[%get3A, %get3A_0] : memref<32x32768xf32, #tpu.memory_space<vmem>>, vector<32x32768xf32>
    %get3A_2 = arith.constant 0 : index
    %get3A_3 = arith.constant 0 : index
    %get3A_4 = vector.load %arg2[%get3A_2, %get3A_3] : memref<16x32xf32, #tpu.memory_space<vmem>>, vector<16x32xf32>
    %dot_general3A = arith.constant dense<0.000000e+00> : vector<16x32768xf32>
    %dot_general3A_5 = tpu.matmul %get3A_4, %get3A_1, %dot_general3A {dimension_numbers = #tpu.dot_dimension_numbers<[1], [0], [0], [1], [0, 0, 1, 1], [], []>, transpose_lhs_hint = false} : vector<16x32xf32>, vector<32x32768xf32>, vector<16x32768xf32> -> vector<16x32768xf32>
    %get3A_6 = arith.constant 0 : index
    %get3A_7 = arith.constant 0 : index
    %get3A_8 = vector.load %arg3[%get3A_6, %get3A_7] : memref<16x32xf32, #tpu.memory_space<vmem>>, vector<16x32xf32>
    %dot_general3A_9 = arith.constant dense<0.000000e+00> : vector<16x32768xf32>
    %dot_general3A_10 = tpu.matmul %get3A_8, %get3A_1, %dot_general3A_9 {dimension_numbers = #tpu.dot_dimension_numbers<[1], [0], [0], [1], [0, 0, 1, 1], [], []>, transpose_lhs_hint = false} : vector<16x32xf32>, vector<32x32768xf32>, vector<16x32768xf32> -> vector<16x32768xf32>
    %bitcast_convert_type3A = tpu.bitcast %dot_general3A_5 : vector<16x32768xf32> -> vector<16x32768xi32>
    %bitcast_convert_type3A_11 = tpu.bitcast %dot_general3A_10 : vector<16x32768xf32> -> vector<16x32768xi32>
    %and3A = arith.constant -65536 : i32
    %and3A_12 = vector.broadcast %and3A : i32 to vector<16x32768xi32>
    %and3A_13 = arith.andi %bitcast_convert_type3A_11, %and3A_12 : vector<16x32768xi32>
    %shift_right_logical3A = arith.constant 16 : i32
    %shift_right_logical3A_14 = vector.broadcast %shift_right_logical3A : i32 to vector<16x32768xi32>
    %shift_right_logical3A_15 = arith.shrui %bitcast_convert_type3A, %shift_right_logical3A_14 : vector<16x32768xi32>
    %or3A = arith.ori %and3A_13, %shift_right_logical3A_15 : vector<16x32768xi32>
    %reshape3A = vector.shape_cast %or3A : vector<16x32768xi32> to vector<524288xi32>
    %swap3A = arith.constant 0 : index
    %swap3A_16 = vector.load %arg4[%swap3A] : memref<524288xi32, #tpu.memory_space<vmem>>, vector<524288xi32>
    tpu.vector_store %arg4[%swap3A], %reshape3A {strides = array<i32>} : memref<524288xi32, #tpu.memory_space<vmem>>, vector<524288xi32>,
    return
  }
  func.func @transform_0(%arg0: i32) -> (i32, i32) {
    %c0_i32 = arith.constant 0 : i32
    %c0_i32_0 = arith.constant 0 : i32
    return %c0_i32, %arg0 : i32, i32
  }
  func.func @transform_1(%arg0: i32) -> (i32, i32) {
    %c0_i32 = arith.constant 0 : i32
    %c0_i32_0 = arith.constant 0 : i32
    %c0_i32_1 = arith.constant 0 : i32
    return %c0_i32, %c0_i32_0 : i32, i32
  }
  func.func @transform_2(%arg0: i32) -> (i32, i32) {
    %c0_i32 = arith.constant 0 : i32
    %c0_i32_0 = arith.constant 0 : i32
    %c0_i32_1 = arith.constant 0 : i32
    return %c0_i32, %c0_i32_0 : i32, i32
  }
  func.func @transform_3(%arg0: i32) -> i32 {
    %c0_i32 = arith.constant 0 : i32
    return %arg0 : i32
  }
}

module attributes {stable_mosaic.version = 14 : i64} {
  func.func @body(%arg0: i32, %arg1: memref<32x32768xf32, #tpu.memory_space<vmem>>, %arg2: memref<16x32xf32, #tpu.memory_space<vmem>>, %arg3: memref<16x32xf32, #tpu.memory_space<vmem>>, %arg4: memref<524288xi32, #tpu.memory_space<vmem>>) attributes {dimension_semantics = [#tpu.dimension_semantics<arbitrary>], iteration_bounds = array<i64: 4>, scalar_prefetch = 0 : i64, scratch_operands = 0 : i64, tpu.core_type = #tpu.core_type<tc>, window_params = [{transform_indices = @transform_0, window_bounds = array<i64: 32, 32768>}, {pipeline_mode = #tpu.pipeline_mode<synchronous>, transform_indices = @transform_1, window_bounds = array<i64: 16, 32>}, {pipeline_mode = #tpu.pipeline_mode<synchronous>, transform_indices = @transform_2, window_bounds = array<i64: 16, 32>}, {transform_indices = @transform_3, window_bounds = array<i64: 524288>}]} {
    %get3A = arith.constant 0 : index
    %get3A_0 = arith.constant 0 : index
    %get3A_1 = vector.load %arg1[%get3A, %get3A_0] : memref<32x32768xf32, #tpu.memory_space<vmem>>, vector<32x32768xf32>
    %get3A_2 = arith.constant 0 : index
    %get3A_3 = arith.constant 0 : index
    %get3A_4 = vector.load %arg2[%get3A_2, %get3A_3] : memref<16x32xf32, #tpu.memory_space<vmem>>, vector<16x32xf32>
    %dot_general3A = arith.constant dense<0.000000e+00> : vector<16x32768xf32>
    %dot_general3A_5 = tpu.matmul %get3A_4, %get3A_1, %dot_general3A {dimension_numbers = #tpu.dot_dimension_numbers<[1], [0], [0], [1], [0, 0, 1, 1], [], []>, transpose_lhs_hint = false} : vector<16x32xf32>, vector<32x32768xf32>, vector<16x32768xf32> -> vector<16x32768xf32>
    %get3A_6 = arith.constant 0 : index
    %get3A_7 = arith.constant 0 : index
    %get3A_8 = vector.load %arg3[%get3A_6, %get3A_7] : memref<16x32xf32, #tpu.memory_space<vmem>>, vector<16x32xf32>
    %dot_general3A_9 = arith.constant dense<0.000000e+00> : vector<16x32768xf32>
    %dot_general3A_10 = tpu.matmul %get3A_8, %get3A_1, %dot_general3A_9 {dimension_numbers = #tpu.dot_dimension_numbers<[1], [0], [0], [1], [0, 0, 1, 1], [], []>, transpose_lhs_hint = false} : vector<16x32xf32>, vector<32x32768xf32>, vector<16x32768xf32> -> vector<16x32768xf32>
    %bitcast_convert_type3A = tpu.bitcast %dot_general3A_5 : vector<16x32768xf32> -> vector<16x32768xi32>
    %bitcast_convert_type3A_11 = tpu.bitcast %dot_general3A_10 : vector<16x32768xf32> -> vector<16x32768xi32>
    %and3A = arith.constant -65536 : i32
    %and3A_12 = vector.broadcast %and3A : i32 to vector<16x32768xi32>
    %and3A_13 = arith.andi %bitcast_convert_type3A_11, %and3A_12 : vector<16x32768xi32>
    %shift_right_logical3A = arith.constant 16 : i32
    %shift_right_logical3A_14 = vector.broadcast %shift_right_logical3A : i32 to vector<16x32768xi32>
    %shift_right_logical3A_15 = arith.shrui %bitcast_convert_type3A, %shift_right_logical3A_14 : vector<16x32768xi32>
    %or3A = arith.ori %and3A_13, %shift_right_logical3A_15 : vector<16x32768xi32>
    %reshape3A = vector.shape_cast %or3A : vector<16x32768xi32> to vector<524288xi32>
    %swap3A = arith.constant 0 : index
    %swap3A_16 = vector.load %arg4[%swap3A] : memref<524288xi32, #tpu.memory_space<vmem>>, vector<524288xi32>
    tpu.vector_store %arg4[%swap3A], %reshape3A {strides = array<i32>} : memref<524288xi32, #tpu.memory_space<vmem>>, vector<524288xi32>,
    return
  }
  func.func @transform_0(%arg0: i32) -> (i32, i32) {
    %c0_i32 = arith.constant 0 : i32
    %c0_i32_0 = arith.constant 0 : i32
    return %c0_i32, %arg0 : i32, i32
  }
  func.func @transform_1(%arg0: i32) -> (i32, i32) {
    %c0_i32 = arith.constant 0 : i32
    %c0_i32_0 = arith.constant 0 : i32
    %c0_i32_1 = arith.constant 0 : i32
    return %c0_i32, %c0_i32_0 : i32, i32
  }
  func.func @transform_2(%arg0: i32) -> (i32, i32) {
    %c0_i32 = arith.constant 0 : i32
    %c0_i32_0 = arith.constant 0 : i32
    %c0_i32_1 = arith.constant 0 : i32
    return %c0_i32, %c0_i32_0 : i32, i32
  }
  func.func @transform_3(%arg0: i32) -> i32 {
    %c0_i32 = arith.constant 0 : i32
    return %arg0 : i32
  }
}

module attributes {stable_mosaic.version = 14 : i64} {
  func.func @_mlp_body(%arg0: i32, %arg1: memref<256x128xi32, #tpu.memory_space<vmem>>, %arg2: memref<256x128xi32, #tpu.memory_space<vmem>>, %arg3: memref<256x128xi32, #tpu.memory_space<vmem>>, %arg4: memref<128x256xf32, #tpu.memory_space<vmem>>, %arg5: memref<128x256xf32, #tpu.memory_space<vmem>>, %arg6: memref<128x256xf32, #tpu.memory_space<vmem>>, %arg7: memref<128x256xf32, #tpu.memory_space<vmem>>, %arg8: memref<128x256xf32, #tpu.memory_space<vmem>>, %arg9: memref<128x256xf32, #tpu.memory_space<vmem>>, %arg10: memref<1x256xf32, #tpu.memory_space<vmem>>, %arg11: memref<256x128xf32, #tpu.memory_space<vmem>>, %arg12: memref<1x128xf32, #tpu.memory_space<vmem>>, %arg13: memref<128x64xf32, #tpu.memory_space<vmem>>, %arg14: memref<1x64xf32, #tpu.memory_space<vmem>>, %arg15: memref<64x8xf32, #tpu.memory_space<vmem>>, %arg16: memref<1x8xf32, #tpu.memory_space<vmem>>, %arg17: memref<256x8xf32, #tpu.memory_space<vmem>>) attributes {dimension_semantics = [#tpu.dimension_semantics<arbitrary>], iteration_bounds = array<i64: 8>, scalar_prefetch = 0 : i64, scratch_operands = 0 : i64, tpu.core_type = #tpu.core_type<tc>, window_params = [{transform_indices = @transform_0, window_bounds = array<i64: 256, 128>}, {transform_indices = @transform_1, window_bounds = array<i64: 256, 128>}, {transform_indices = @transform_2, window_bounds = array<i64: 256, 128>}, {pipeline_mode = #tpu.pipeline_mode<synchronous>, transform_indices = @transform_3, window_bounds = array<i64: 128, 256>}, {pipeline_mode = #tpu.pipeline_mode<synchronous>, transform_indices = @transform_4, window_bounds = array<i64: 128, 256>}, {pipeline_mode = #tpu.pipeline_mode<synchronous>, transform_indices = @transform_5, window_bounds = array<i64: 128, 256>}, {pipeline_mode = #tpu.pipeline_mode<synchronous>, transform_indices = @transform_6, window_bounds = array<i64: 128, 256>}, {pipeline_mode = #tpu.pipeline_mode<synchronous>, transform_indices = @transform_7, window_bounds = array<i64: 128, 256>}, {pipeline_mode = #tpu.pipeline_mode<synchronous>, transform_indices = @transform_8, window_bounds = array<i64: 128, 256>}, {pipeline_mode = #tpu.pipeline_mode<synchronous>, transform_indices = @transform_9, window_bounds = array<i64: 1, 256>}, {pipeline_mode = #tpu.pipeline_mode<synchronous>, transform_indices = @transform_10, window_bounds = array<i64: 256, 128>}, {pipeline_mode = #tpu.pipeline_mode<synchronous>, transform_indices = @transform_11, window_bounds = array<i64: 1, 128>}, {pipeline_mode = #tpu.pipeline_mode<synchronous>, transform_indices = @transform_12, window_bounds = array<i64: 128, 64>}, {pipeline_mode = #tpu.pipeline_mode<synchronous>, transform_indices = @transform_13, window_bounds = array<i64: 1, 64>}, {pipeline_mode = #tpu.pipeline_mode<synchronous>, transform_indices = @transform_14, window_bounds = array<i64: 64, 8>}, {pipeline_mode = #tpu.pipeline_mode<synchronous>, transform_indices = @transform_15, window_bounds = array<i64: 1, 8>}, {transform_indices = @transform_16, window_bounds = array<i64: 256, 8>}]} {
    %get3A = arith.constant 0 : index
    %get3A_0 = arith.constant 0 : index
    %get3A_1 = vector.load %arg1[%get3A, %get3A_0] : memref<256x128xi32, #tpu.memory_space<vmem>>, vector<256x128xi32>
    %shift_left3A = arith.constant 16 : i32
    %shift_left3A_2 = vector.broadcast %shift_left3A : i32 to vector<256x128xi32>
    %shift_left3A_3 = arith.shli %get3A_1, %shift_left3A_2 : vector<256x128xi32>
    %bitcast_convert_type3A = tpu.bitcast %shift_left3A_3 : vector<256x128xi32> -> vector<256x128xf32>
    %and3A = arith.constant -65536 : i32
    %and3A_4 = vector.broadcast %and3A : i32 to vector<256x128xi32>
    %and3A_5 = arith.andi %get3A_1, %and3A_4 : vector<256x128xi32>
    %bitcast_convert_type3A_6 = tpu.bitcast %and3A_5 : vector<256x128xi32> -> vector<256x128xf32>
    %get3A_7 = arith.constant 0 : index
    %get3A_8 = arith.constant 0 : index
    %get3A_9 = vector.load %arg2[%get3A_7, %get3A_8] : memref<256x128xi32, #tpu.memory_space<vmem>>, vector<256x128xi32>
    %shift_left3A_10 = arith.constant 16 : i32
    %shift_left3A_11 = vector.broadcast %shift_left3A_10 : i32 to vector<256x128xi32>
    %shift_left3A_12 = arith.shli %get3A_9, %shift_left3A_11 : vector<256x128xi32>
    %bitcast_convert_type3A_13 = tpu.bitcast %shift_left3A_12 : vector<256x128xi32> -> vector<256x128xf32>
    %and3A_14 = arith.constant -65536 : i32
    %and3A_15 = vector.broadcast %and3A_14 : i32 to vector<256x128xi32>
    %and3A_16 = arith.andi %get3A_9, %and3A_15 : vector<256x128xi32>
    %bitcast_convert_type3A_17 = tpu.bitcast %and3A_16 : vector<256x128xi32> -> vector<256x128xf32>
    %get3A_18 = arith.constant 0 : index
    %get3A_19 = arith.constant 0 : index
    %get3A_20 = vector.load %arg3[%get3A_18, %get3A_19] : memref<256x128xi32, #tpu.memory_space<vmem>>, vector<256x128xi32>
    %shift_left3A_21 = arith.constant 16 : i32
    %shift_left3A_22 = vector.broadcast %shift_left3A_21 : i32 to vector<256x128xi32>
    %shift_left3A_23 = arith.shli %get3A_20, %shift_left3A_22 : vector<256x128xi32>
    %bitcast_convert_type3A_24 = tpu.bitcast %shift_left3A_23 : vector<256x128xi32> -> vector<256x128xf32>
    %and3A_25 = arith.constant -65536 : i32
    %and3A_26 = vector.broadcast %and3A_25 : i32 to vector<256x128xi32>
    %and3A_27 = arith.andi %get3A_20, %and3A_26 : vector<256x128xi32>
    %bitcast_convert_type3A_28 = tpu.bitcast %and3A_27 : vector<256x128xi32> -> vector<256x128xf32>
    %get3A_29 = arith.constant 0 : index
    %get3A_30 = arith.constant 0 : index
    %get3A_31 = vector.load %arg4[%get3A_29, %get3A_30] : memref<128x256xf32, #tpu.memory_space<vmem>>, vector<128x256xf32>
    %dot_general3A = arith.constant dense<0.000000e+00> : vector<256x256xf32>
    %dot_general3A_32 = tpu.matmul %bitcast_convert_type3A, %get3A_31, %dot_general3A {dimension_numbers = #tpu.dot_dimension_numbers<[1], [0], [0], [1], [0, 0, 1, 1], [], []>, transpose_lhs_hint = false} : vector<256x128xf32>, vector<128x256xf32>, vector<256x256xf32> -> vector<256x256xf32>
    %get3A_33 = arith.constant 0 : index
    %get3A_34 = arith.constant 0 : index
    %get3A_35 = vector.load %arg5[%get3A_33, %get3A_34] : memref<128x256xf32, #tpu.memory_space<vmem>>, vector<128x256xf32>
    %dot_general3A_36 = arith.constant dense<0.000000e+00> : vector<256x256xf32>
    %dot_general3A_37 = tpu.matmul %bitcast_convert_type3A_6, %get3A_35, %dot_general3A_36 {dimension_numbers = #tpu.dot_dimension_numbers<[1], [0], [0], [1], [0, 0, 1, 1], [], []>, transpose_lhs_hint = false} : vector<256x128xf32>, vector<128x256xf32>, vector<256x256xf32> -> vector<256x256xf32>
    %add3A = arith.addf %dot_general3A_32, %dot_general3A_37 : vector<256x256xf32>
    %get3A_38 = arith.constant 0 : index
    %get3A_39 = arith.constant 0 : index
    %get3A_40 = vector.load %arg6[%get3A_38, %get3A_39] : memref<128x256xf32, #tpu.memory_space<vmem>>, vector<128x256xf32>
    %dot_general3A_41 = arith.constant dense<0.000000e+00> : vector<256x256xf32>
    %dot_general3A_42 = tpu.matmul %bitcast_convert_type3A_13, %get3A_40, %dot_general3A_41 {dimension_numbers = #tpu.dot_dimension_numbers<[1], [0], [0], [1], [0, 0, 1, 1], [], []>, transpose_lhs_hint = false} : vector<256x128xf32>, vector<128x256xf32>, vector<256x256xf32> -> vector<256x256xf32>
    %add3A_43 = arith.addf %add3A, %dot_general3A_42 : vector<256x256xf32>
    %get3A_44 = arith.constant 0 : index
    %get3A_45 = arith.constant 0 : index
    %get3A_46 = vector.load %arg7[%get3A_44, %get3A_45] : memref<128x256xf32, #tpu.memory_space<vmem>>, vector<128x256xf32>
    %dot_general3A_47 = arith.constant dense<0.000000e+00> : vector<256x256xf32>
    %dot_general3A_48 = tpu.matmul %bitcast_convert_type3A_17, %get3A_46, %dot_general3A_47 {dimension_numbers = #tpu.dot_dimension_numbers<[1], [0], [0], [1], [0, 0, 1, 1], [], []>, transpose_lhs_hint = false} : vector<256x128xf32>, vector<128x256xf32>, vector<256x256xf32> -> vector<256x256xf32>
    %add3A_49 = arith.addf %add3A_43, %dot_general3A_48 : vector<256x256xf32>
    %get3A_50 = arith.constant 0 : index
    %get3A_51 = arith.constant 0 : index
    %get3A_52 = vector.load %arg8[%get3A_50, %get3A_51] : memref<128x256xf32, #tpu.memory_space<vmem>>, vector<128x256xf32>
    %dot_general3A_53 = arith.constant dense<0.000000e+00> : vector<256x256xf32>
    %dot_general3A_54 = tpu.matmul %bitcast_convert_type3A_24, %get3A_52, %dot_general3A_53 {dimension_numbers = #tpu.dot_dimension_numbers<[1], [0], [0], [1], [0, 0, 1, 1], [], []>, transpose_lhs_hint = false} : vector<256x128xf32>, vector<128x256xf32>, vector<256x256xf32> -> vector<256x256xf32>
    %add3A_55 = arith.addf %add3A_49, %dot_general3A_54 : vector<256x256xf32>
    %get3A_56 = arith.constant 0 : index
    %get3A_57 = arith.constant 0 : index
    %get3A_58 = vector.load %arg9[%get3A_56, %get3A_57] : memref<128x256xf32, #tpu.memory_space<vmem>>, vector<128x256xf32>
    %dot_general3A_59 = arith.constant dense<0.000000e+00> : vector<256x256xf32>
    %dot_general3A_60 = tpu.matmul %bitcast_convert_type3A_28, %get3A_58, %dot_general3A_59 {dimension_numbers = #tpu.dot_dimension_numbers<[1], [0], [0], [1], [0, 0, 1, 1], [], []>, transpose_lhs_hint = false} : vector<256x128xf32>, vector<128x256xf32>, vector<256x256xf32> -> vector<256x256xf32>
    %add3A_61 = arith.addf %add3A_55, %dot_general3A_60 : vector<256x256xf32>
    %get3A_62 = arith.constant 0 : index
    %get3A_63 = arith.constant 0 : index
    %get3A_64 = vector.load %arg10[%get3A_62, %get3A_63] : memref<1x256xf32, #tpu.memory_space<vmem>>, vector<1x256xf32>
    %add3A_65 = vector.broadcast %get3A_64 : vector<1x256xf32> to vector<256x256xf32>
    %add3A_66 = arith.addf %add3A_61, %add3A_65 : vector<256x256xf32>
    %max3A = arith.constant 0.000000e+00 : f32
    %max3A_67 = vector.broadcast %max3A : f32 to vector<256x256xf32>
    %max3A_68 = arith.maximumf %add3A_66, %max3A_67 : vector<256x256xf32>
    %get3A_69 = arith.constant 0 : index
    %get3A_70 = arith.constant 0 : index
    %get3A_71 = vector.load %arg11[%get3A_69, %get3A_70] : memref<256x128xf32, #tpu.memory_space<vmem>>, vector<256x128xf32>
    %dot_general3A_72 = arith.constant dense<0.000000e+00> : vector<256x128xf32>
    %dot_general3A_73 = tpu.matmul %max3A_68, %get3A_71, %dot_general3A_72 {dimension_numbers = #tpu.dot_dimension_numbers<[1], [0], [0], [1], [0, 0, 1, 1], [], []>, transpose_lhs_hint = false} : vector<256x256xf32>, vector<256x128xf32>, vector<256x128xf32> -> vector<256x128xf32>
    %get3A_74 = arith.constant 0 : index
    %get3A_75 = arith.constant 0 : index
    %get3A_76 = vector.load %arg12[%get3A_74, %get3A_75] : memref<1x128xf32, #tpu.memory_space<vmem>>, vector<1x128xf32>
    %add3A_77 = vector.broadcast %get3A_76 : vector<1x128xf32> to vector<256x128xf32>
    %add3A_78 = arith.addf %dot_general3A_73, %add3A_77 : vector<256x128xf32>
    %max3A_79 = arith.constant 0.000000e+00 : f32
    %max3A_80 = vector.broadcast %max3A_79 : f32 to vector<256x128xf32>
    %max3A_81 = arith.maximumf %add3A_78, %max3A_80 : vector<256x128xf32>
    %get3A_82 = arith.constant 0 : index
    %get3A_83 = arith.constant 0 : index
    %get3A_84 = vector.load %arg13[%get3A_82, %get3A_83] : memref<128x64xf32, #tpu.memory_space<vmem>>, vector<128x64xf32>
    %dot_general3A_85 = arith.constant dense<0.000000e+00> : vector<256x64xf32>
    %dot_general3A_86 = tpu.matmul %max3A_81, %get3A_84, %dot_general3A_85 {dimension_numbers = #tpu.dot_dimension_numbers<[1], [0], [0], [1], [0, 0, 1, 1], [], []>, transpose_lhs_hint = false} : vector<256x128xf32>, vector<128x64xf32>, vector<256x64xf32> -> vector<256x64xf32>
    %get3A_87 = arith.constant 0 : index
    %get3A_88 = arith.constant 0 : index
    %get3A_89 = vector.load %arg14[%get3A_87, %get3A_88] : memref<1x64xf32, #tpu.memory_space<vmem>>, vector<1x64xf32>
    %add3A_90 = vector.broadcast %get3A_89 : vector<1x64xf32> to vector<256x64xf32>
    %add3A_91 = arith.addf %dot_general3A_86, %add3A_90 : vector<256x64xf32>
    %max3A_92 = arith.constant 0.000000e+00 : f32
    %max3A_93 = vector.broadcast %max3A_92 : f32 to vector<256x64xf32>
    %max3A_94 = arith.maximumf %add3A_91, %max3A_93 : vector<256x64xf32>
    %get3A_95 = arith.constant 0 : index
    %get3A_96 = arith.constant 0 : index
    %get3A_97 = vector.load %arg15[%get3A_95, %get3A_96] : memref<64x8xf32, #tpu.memory_space<vmem>>, vector<64x8xf32>
    %dot_general3A_98 = arith.constant dense<0.000000e+00> : vector<256x8xf32>
    %dot_general3A_99 = tpu.matmul %max3A_94, %get3A_97, %dot_general3A_98 {dimension_numbers = #tpu.dot_dimension_numbers<[1], [0], [0], [1], [0, 0, 1, 1], [], []>, transpose_lhs_hint = false} : vector<256x64xf32>, vector<64x8xf32>, vector<256x8xf32> -> vector<256x8xf32>
    %get3A_100 = arith.constant 0 : index
    %get3A_101 = arith.constant 0 : index
    %get3A_102 = vector.load %arg16[%get3A_100, %get3A_101] : memref<1x8xf32, #tpu.memory_space<vmem>>, vector<1x8xf32>
    %add3A_103 = vector.broadcast %get3A_102 : vector<1x8xf32> to vector<256x8xf32>
    %add3A_104 = arith.addf %dot_general3A_99, %add3A_103 : vector<256x8xf32>
    %swap3A = arith.constant 0 : index
    %swap3A_105 = arith.constant 0 : index
    %swap3A_106 = vector.load %arg17[%swap3A, %swap3A_105] : memref<256x8xf32, #tpu.memory_space<vmem>>, vector<256x8xf32>
    tpu.vector_store %arg17[%swap3A, %swap3A_105], %add3A_104 {strides = array<i32>} : memref<256x8xf32, #tpu.memory_space<vmem>>, vector<256x8xf32>,
    return
  }
  func.func @transform_0(%arg0: i32) -> (i32, i32) {
    %c0_i32 = arith.constant 0 : i32
    %c0_i32_0 = arith.constant 0 : i32
    return %arg0, %c0_i32 : i32, i32
  }
  func.func @transform_1(%arg0: i32) -> (i32, i32) {
    %c0_i32 = arith.constant 0 : i32
    %c0_i32_0 = arith.constant 0 : i32
    return %arg0, %c0_i32 : i32, i32
  }
  func.func @transform_2(%arg0: i32) -> (i32, i32) {
    %c0_i32 = arith.constant 0 : i32
    %c0_i32_0 = arith.constant 0 : i32
    return %arg0, %c0_i32 : i32, i32
  }
  func.func @transform_3(%arg0: i32) -> (i32, i32) {
    %c0_i32 = arith.constant 0 : i32
    %c0_i32_0 = arith.constant 0 : i32
    %c0_i32_1 = arith.constant 0 : i32
    return %c0_i32, %c0_i32_0 : i32, i32
  }
  func.func @transform_4(%arg0: i32) -> (i32, i32) {
    %c0_i32 = arith.constant 0 : i32
    %c0_i32_0 = arith.constant 0 : i32
    %c0_i32_1 = arith.constant 0 : i32
    return %c0_i32, %c0_i32_0 : i32, i32
  }
  func.func @transform_5(%arg0: i32) -> (i32, i32) {
    %c0_i32 = arith.constant 0 : i32
    %c0_i32_0 = arith.constant 0 : i32
    %c0_i32_1 = arith.constant 0 : i32
    return %c0_i32, %c0_i32_0 : i32, i32
  }
  func.func @transform_6(%arg0: i32) -> (i32, i32) {
    %c0_i32 = arith.constant 0 : i32
    %c0_i32_0 = arith.constant 0 : i32
    %c0_i32_1 = arith.constant 0 : i32
    return %c0_i32, %c0_i32_0 : i32, i32
  }
  func.func @transform_7(%arg0: i32) -> (i32, i32) {
    %c0_i32 = arith.constant 0 : i32
    %c0_i32_0 = arith.constant 0 : i32
    %c0_i32_1 = arith.constant 0 : i32
    return %c0_i32, %c0_i32_0 : i32, i32
  }
  func.func @transform_8(%arg0: i32) -> (i32, i32) {
    %c0_i32 = arith.constant 0 : i32
    %c0_i32_0 = arith.constant 0 : i32
    %c0_i32_1 = arith.constant 0 : i32
    return %c0_i32, %c0_i32_0 : i32, i32
  }
  func.func @transform_9(%arg0: i32) -> (i32, i32) {
    %c0_i32 = arith.constant 0 : i32
    %c0_i32_0 = arith.constant 0 : i32
    %c0_i32_1 = arith.constant 0 : i32
    return %c0_i32, %c0_i32_0 : i32, i32
  }
  func.func @transform_10(%arg0: i32) -> (i32, i32) {
    %c0_i32 = arith.constant 0 : i32
    %c0_i32_0 = arith.constant 0 : i32
    %c0_i32_1 = arith.constant 0 : i32
    return %c0_i32, %c0_i32_0 : i32, i32
  }
  func.func @transform_11(%arg0: i32) -> (i32, i32) {
    %c0_i32 = arith.constant 0 : i32
    %c0_i32_0 = arith.constant 0 : i32
    %c0_i32_1 = arith.constant 0 : i32
    return %c0_i32, %c0_i32_0 : i32, i32
  }
  func.func @transform_12(%arg0: i32) -> (i32, i32) {
    %c0_i32 = arith.constant 0 : i32
    %c0_i32_0 = arith.constant 0 : i32
    %c0_i32_1 = arith.constant 0 : i32
    return %c0_i32, %c0_i32_0 : i32, i32
  }
  func.func @transform_13(%arg0: i32) -> (i32, i32) {
    %c0_i32 = arith.constant 0 : i32
    %c0_i32_0 = arith.constant 0 : i32
    %c0_i32_1 = arith.constant 0 : i32
    return %c0_i32, %c0_i32_0 : i32, i32
  }
  func.func @transform_14(%arg0: i32) -> (i32, i32) {
    %c0_i32 = arith.constant 0 : i32
    %c0_i32_0 = arith.constant 0 : i32
    %c0_i32_1 = arith.constant 0 : i32
    return %c0_i32, %c0_i32_0 : i32, i32
  }
  func.func @transform_15(%arg0: i32) -> (i32, i32) {
    %c0_i32 = arith.constant 0 : i32
    %c0_i32_0 = arith.constant 0 : i32
    %c0_i32_1 = arith.constant 0 : i32
    return %c0_i32, %c0_i32_0 : i32, i32
  }
  func.func @transform_16(%arg0: i32) -> (i32, i32) {
    %c0_i32 = arith.constant 0 : i32
    %c0_i32_0 = arith.constant 0 : i32
    return %arg0, %c0_i32 : i32, i32
  }
}

</mosaic_0001>

<sc_bundles>
// kernel: kernel.10.cloned.1.call-start
scs
__scs_entry_jumppad:
0x0: {  	(pc) =	sbr.rel $0x88, $3  }
0x1: {  	(tag) =	ssettag $0x0;
	lr =	simm.s32 $0x1  }
0x2: {  	[smem:$0x3F85] =	sst lr;
	_ =	strace $0xD0000000  }
0x3: {  	_ = 	snop  }
0x4: {  	_ = 	snop  }
0x5: {  	_ = 	snop  }
0x6: {  	_ = 	snop  }
0x7: {  	_ = 	snop  }
__scs_overlays_trampoline_lowered:
0x8: {  	[smem:$0x3F94] =	sst s0  }
0x9: {  	[smem:$0x3F95] =	sst s1  }
0xa: {  	[smem:$0x3F96] =	sst s2  }
0xb: {  	[smem:$0x3F97] =	sst s3  }
0xc: {  	[smem:$0x3F98] =	sst s4  }
0xd: {  	[smem:$0x3F99] =	sst s5  }
0xe: {  	[smem:$0x3F9A] =	sst s6  }
0xf: {  	[smem:$0x3F9B] =	sst s7  }
0x10: {  	[smem:$0x3F9C] =	sst s8  }
0x11: {  	[smem:$0x3F9D] =	sst s9;
	s0 =	simm.s32 @!p0 $0x0  }
0x12: {  	s1 =	sld [smem:$0x3F83];
	s0 =	simm.s32 @p0 $0x1  }
0x13: {  	[smem:$0x3F9E] =	sst s0;
	s0 =	simm.s32 @!p1 $0x0  }
0x14: {  	s2 =	sld [smem:$0x3F82];
	s0 =	simm.s32 @p1 $0x1  }
0x15: {  	[smem:$0x3F9F] =	sst s0;
	s0 =	simm.s32 @!p2 $0x0  }
0x16: {  	s3 =	sld [smem:$0x3FDB];
	s0 =	simm.s32 @p2 $0x1  }
0x17: {  	s4 =	simm.s32 $0x1BF5;
	[smem:$0x3FA1] =	sst s0  }
0x18: {  	s0 =	sld [smem:$0x3F84];
	_ =	swait.ge [sflag:s4], $0x0  }
0x19: {  	s7 =	sld [smem:$0x3F85]  }
0x1a: {  	s8 =	sadd.s32 $0xFFFFE003, lr  }
0x1b: {  	s9 =	sadd.s32 $0xFFFFFEF7, lr;
	s5 =	simm.s32 $0xFFFFFFFF;
	p2 =	slt.u32 s8, $0xFFFFF086  }
0x1c: {  	p1 =	slt.u32 s9, $0xF7A;
	s5 =	simm.s32 @!p2 $0x0  }
0x1d: {  	s5 =	simm.s32 @p1 $0x1;
	p0 =	seq.s32 s7, s2  }
0x1e: {  	s7 =	smul.u32 @!p0 $0xF7A, s2;
	p2 =	seq.s32 @!p0 s5, $0x0  }
0x1f: {  	s9 =	smul.u32 $0xF7A, s1;
	s8 =	simm.s32 @!p0 $0x1BF5;
	p2 =	por !p2, p0  }
0x20: {  	[sflag:s8] =	ssyncset.s32 @!p0 $0xFFFFF086;
	s6 =	sadd.s32 @!p0 s3, s7;
	s7 =	simm.s32 @!p0 $0x108  }
0x21: {  	s3 =	sadd.s32 s3, s9;
	s6 =	sadd.s32 @!p0 $0x88, s6;
	s7 =	simm.s32 @p2 $0x1082  }
0x22: {  	[simem:s7], [sflag:s8] =	dma.local @!p0 [hbm:s6], $0xF7A  }
0x23: {  	s9 =	sor.u32 $0xD0000000, s2;
	s6 =	simm.s32 $0x108;
	_ =	swait.ge @!p0 [sflag:s8], $0x0  }
0x24: {  	s3 =	sadd.s32 $0x88, s3;
	s6 =	simm.s32 @!p1 $0x1082;
	[sflag:s4] =	ssyncset.s32 $0xFFFFF086  }
0x25: {  	[simem:s6], [sflag:s4] =	dma.local [hbm:s3], $0xF7A  }
0x26: {  	[smem:$0x3F85] =	sst s1;
	(tag) =	ssettag s2;
	_ =	strace s9  }
0x27: {  	s1 =	sld [smem:$0x3F95]  }
0x28: {  	s2 =	sld [smem:$0x3F96]  }
0x29: {  	s4 =	sld [smem:$0x3F98]  }
0x2a: {  	p0 =	seq.s32 s5, $0x0;
	s5 =	sld [smem:$0x3F99]  }
0x2b: {  	s6 =	sld [smem:$0x3F9A]  }
0x2c: {  	s7 =	sld [smem:$0x3F9B]  }
0x2d: {  	s3 =	simm.s32 $0x108;
	s8 =	sld [smem:$0x3F9C]  }
0x2e: {  	s3 =	simm.s32 @!p0 $0x1082;
	s9 =	sld [smem:$0x3F9D]  }
0x2f: {  	lr =	sadd.s32 s0, s3;
	s0 =	sld [smem:$0x3F94]  }
0x30: {  	s3 =	sld [smem:$0x3F97]  }
0x31: {  	[smem:$0x3FA0] =	sst s10  }
0x32: {  	s10 =	sld [smem:$0x3F9E];
	_ =	sdelay $0x3  }
0x33: {  	p0 =	seq.s32 s10, $0x1;
	s10 =	sld [smem:$0x3FA0];
	_ =	sdelay $0x3  }
0x34: {  	[smem:$0x3FA0] =	sst s10  }
0x35: {  	s10 =	sld [smem:$0x3F9F];
	_ =	sdelay $0x3  }
0x36: {  	p1 =	seq.s32 s10, $0x1;
	s10 =	sld [smem:$0x3FA0];
	_ =	sdelay $0x3  }
0x37: {  	[smem:$0x3FA0] =	sst s10  }
0x38: {  	s10 =	sld [smem:$0x3FA1]  }
0x39: {  	_ = 	snop;
	(pc) =	sbr.ind lr, $3  }
0x3a: {  	_ = 	snop  }
0x3b: {  	_ = 	snop  }
0x3c: {  	p2 =	seq.s32 s10, $0x1;
	s10 =	sld [smem:$0x3FA0]  }
0x3d: {  	_ =	shalt  }
0x3e: {  	_ =	shalt  }
0x3f: {  	_ =	shalt  }
0x40: {  	_ =	shalt  }
0x41: {  	_ =	shalt  }
0x42: {  	_ =	shalt  }
0x43: {  	_ =	shalt  }
0x44: {  	_ =	shalt  }
0x45: {  	_ =	shalt  }
0x46: {  	_ =	shalt  }
0x47: {  	_ =	shalt  }
0x48: {  	_ =	shalt  }
0x49: {  	_ =	shalt  }
0x4a: {  	_ =	shalt  }
0x4b: {  	_ =	shalt  }
0x4c: {  	_ =	shalt  }
0x4d: {  	_ =	shalt  }
0x4e: {  	_ =	shalt  }
0x4f: {  	_ =	shalt  }
0x50: {  	_ =	shalt  }
0x51: {  	_ =	shalt  }
0x52: {  	_ =	shalt  }
0x53: {  	_ =	shalt  }
0x54: {  	_ =	shalt  }
0x55: {  	_ =	shalt  }
0x56: {  	_ =	shalt  }
0x57: {  	_ =	shalt  }
0x58: {  	_ =	shalt  }
0x59: {  	_ =	shalt  }
0x5a: {  	_ =	shalt  }
0x5b: {  	_ =	shalt  }
0x5c: {  	_ =	shalt  }
0x5d: {  	_ =	shalt  }
0x5e: {  	_ =	shalt  }
0x5f: {  	_ =	shalt  }
0x60: {  	_ =	shalt  }
0x61: {  	_ =	shalt  }
0x62: {  	_ =	shalt  }
0x63: {  	_ =	shalt  }
0x64: {  	_ =	shalt  }
0x65: {  	_ =	shalt  }
0x66: {  	_ =	shalt  }
0x67: {  	_ =	shalt  }
0x68: {  	_ =	shalt  }
0x69: {  	_ =	shalt  }
0x6a: {  	_ =	shalt  }
0x6b: {  	_ =	shalt  }
0x6c: {  	_ =	shalt  }
0x6d: {  	_ =	shalt  }
0x6e: {  	_ =	shalt  }
0x6f: {  	_ =	shalt  }
0x70: {  	_ =	shalt  }
0x71: {  	_ =	shalt  }
0x72: {  	_ =	shalt  }
0x73: {  	_ =	shalt  }
0x74: {  	_ =	shalt  }
0x75: {  	_ =	shalt  }
0x76: {  	_ =	shalt  }
0x77: {  	_ =	shalt  }
0x78: {  	_ =	shalt  }
0x79: {  	_ =	shalt  }
0x7a: {  	_ =	shalt  }
0x7b: {  	_ =	shalt  }
0x7c: {  	_ =	shalt  }
0x7d: {  	_ =	shalt  }
0x7e: {  	_ =	shalt  }
0x7f: {  	_ =	shalt  }
0x80: {  	_ =	shalt  }
0x81: {  	_ =	shalt  }
0x82: {  	_ =	shalt  }
0x83: {  	_ =	shalt  }
0x84: {  	_ =	shalt  }
0x85: {  	_ =	shalt  }
0x86: {  	_ =	shalt  }
0x87: {  	_ =	shalt  }
.Lfunc_end0:
.L_simem_size_0:
called_computation.1_lowered:
.L_overlay_start_0:
0x88: {  	s2 =	sld [smem:$0x3FD9]  }
0x89: {  	s3 =	sld [smem:$0x3FFE];
	_ =	sdelay $0x1  }
0x8a: {  	s1 =	srdreg.scid  }
0x8b: {  	s0 =	sand.u32 $0x1, s1  }
0x8c: {  	s17 =	sshll.u32 s0, $0xA;
	s2 =	sadd.s32 s3, s2  }
0x8d: {  	s2 =	sadd.s32 s2, s17  }
0x8e: {  	[smem:$0x3FAC] =	sst s2  }
0x8f: {  	_ = 	snop  }
0x90: {  	s2 =	sld [smem:$0x3FC9];
	(tm) =	ssettm $0x1  }
0x91: {  	s18 =	sld [smem:$0x3FFB];
	_ =	sdelay $0x3  }
0x92: {  	_ =	strace s18  }
0x93: {  	s3 =	sld [smem:$0x3FFC];
	_ =	sdelay $0x3  }
0x94: {  	_ =	strace s3  }
0x95: {  	s3 =	sld [smem:$0x3FFD];
	_ =	sdelay $0x3  }
0x96: {  	_ =	strace s3  }
0x97: {  	_ =	strace $0x8FFFFFFF  }
0x98: {  	s19 =	sld [smem:$0x3FDB];
	_ =	sdelay $0x1  }
0x99: {  	s4 =	simm.s32 $_scs_section_size  }
0x9a: {  	s5 =	simm.s32 $_size__tile_overlayer_lowered;
	s6 =	simm.s32 $_tile_overlayer_lowered  }
0x9b: {  	s22 =	simm.s32 $0x1BFF;
	s21 =	sshll.u32 s6, $0x1;
	s3 =	sadd.s32 s4, s19  }
0x9c: {  	s7 =	simm.s32 $0x0;
	s20 =	sshll.u32 s5, $0x1;
	s5 =	sadd.s32 s21, s3  }
0x9d: {  	[timem:s7], [sflag:s22] =	dma.local [hbm:s5], s20  }
0x9e: {  	_ =	swait.ge [sflag:s22], s20  }
0x9f: {  	s4 =	ssub.s32 $0x0, s20;
	[sflag:s22] =	ssyncset.done $0x0  }
0xa0: {  	[sflag:s22] =	ssyncadd.s32 s4;
	_ =	sdelay $0x1  }
0xa1: {  	s23 =	simm.s32 $0x1B8B  }
0xa2: {  	_ =	swait.ge [sflag:s23], $0x1  }
0xa3: {  	[sflag:s23] =	ssyncset.done $0x0  }
0xa4: {  	s25 =	simm.s32 $0x1B8E;
	s24 =	sld [smem:$0x3FFE];
	[sflag:s23] =	ssyncadd.s32 $0xFFFFFFFF  }
0xa5: {  	s26 =	simm.s32 $execute0_lowered;
	[smem:$0x3FD2] =	sst s25  }
0xa6: {  	s5 =	sshll.u32 s26, $0x1;
	_ =	strace $0x80000046;
	[dreg:$0x1] =	wrdreg $0xFFFFFFFF  }
0xa7: {  	s28 =	simm.s32 $_size_execute0_lowered;
	s3 =	sadd.s32 s3, s5;
	[dreg:$0x0] =	wrdreg $0x0  }
0xa8: {  	s5 =	sshll.u32 s28, $0x1;
	[dreg:$0x2] =	wrdreg s3  }
0xa9: {  	[dreg:$0x3] =	wrdreg s5  }
0xaa: {  	[dreg:$0x4] =	wrdreg $0xC0  }
0xab: {  	_ =	task [dreg:s7], $0x5FFFF  }
0xac: {  	[dreg:$0x1] =	wrdreg $0xFFFFFFFF  }
0xad: {  	[dreg:$0x0] =	wrdreg $0x60  }
0xae: {  	[dreg:$0x2] =	wrdreg s2  }
0xaf: {  	[dreg:$0x3] =	wrdreg s24  }
0xb0: {  	[dreg:$0x4] =	wrdreg $0xA  }
0xb1: {  	_ =	task.clear_ibuf [dreg:s7], $0x5FFFF;
	_ =	strace $0x90000046  }
0xb2: {  	s29 =	simm.s32 $0xA;
	_ =	strace $0x80000048  }
0xb3: {  	_ =	swait.ge [sflag:s29], $0x1  }
0xb4: {  	[sflag:s29] =	ssyncadd.s32 $0xFFFFFFFF  }
0xb5: {  	_ =	strace $0x90000048  }
0xb6: {  	_ =	sfence  }
0xb7: {  	s30 =	sld [smem:$0x0];
	_ =	sdelay $0x2  }
0xb8: {  	s31 =	sshll.u32 s1, $0xD;
	s1 =	sshrl.u32 s1, $0x2  }
0xb9: {  	s3 =	sand.u32 $0x4000, s31;
	s1 =	sadd.s32 s1, s30  }
0xba: {  	s0 =	sor.u32 s3, s0;
	s1 =	sshll.u32 s1, $0x11  }
0xbb: {  	s0 =	sor.u32 s1, s0  }
0xbc: {  	s0 =	sadd.s32 $0x8F2B, s0  }
0xbd: {  	[sflag:s0] =	ssyncadd.remote.s32 $0x1  }
0xbe: {  	_ =	sfence.sel $0xFFFF  }
0xbf: {  	[dreg:$0x0] =	wrdreg $0xFFFFFFFF;
	(pc) =	sbr.abs _section_cstart, $3  }
0xc0: {  	[dreg:$0x1] =	wrdreg $0xFFFFFFFF  }
0xc1: {  	_ =	task.clear_ibuf [dreg:s7], $0x2FFFF;
	_ =	strace $0x9FFFFFFF  }
0xc2: {  	(tm) =	ssettm $0x7FFFFFFF  }
0xc3: {  	_ =	shalt  }
tec
execute0_lowered:
.L_overlay_start_1:
0x0: {  	(tag) =	ssettag $0x1  }
0x1: {  	s4 =	rddreg [dreg:$0x0]  }
0x2: {  	s5 =	rddreg [dreg:$0x1]  }
0x3: {  	s0 =	rddreg [dreg:$0x2]  }
0x4: {  	s2 =	simm.s32 $0x0;
	s3 =	srdreg.scid;
	s1 =	stileid.u32  }
0x5: {  	s10 =	simm.s32 $0x2200;
	s11 =	simm.s32 $0xA00;
	s12 =	simm.s32 $0x2A00  }
0x6: {  	s13 =	simm.s32 $0x1200;
	s14 =	simm.s32 $0x3200;
	s15 =	simm.s32 $0x1A00  }
0x7: {  	s16 =	simm.s32 $0x3A00;
	s17 =	simm.s32 $0x1;
	s18 =	simm.s32 $0x0  }
0x8: {  	[smem:$0x7FF] =	sst s2;
	s3 =	sand.u32 $0x1, s3;
	s6 =	sshll.u32 s1, $0x1  }
0x9: {  	_ =	strace $0x80000047;
	s6 =	sor.u32 s3, s6;
	s7 =	ssub.s32 $0x2, s3  }
0xa: {  	s3 =	sadd.s32 $0x4400, s5;
	s8 =	sshll.u32 s6, $0xA;
	s9 =	sshrl.u32 s7, $0x1  }
0xb: {  	s6 =	sshll.u32 s6, $0x6;
	s5 =	sadd.s32 s8, s5;
	s7 =	ssub.s32 s7, s9  }
0xc: {  	v0 =	vlaneseq.u32;
	s4 =	sadd.s32 s4, s6;
	s8 =	simm.s32 $0x200;
	s9 =	simm.s32 $0x800  }
0xd: {  	v0 =	vmul.u32 $0x10, v0;
	s5 =	sadd.s32 $0x1F4400, s5;
	s6 =	smax.u32 s7, $0x1;
	s7 =	simm.s32 $0x2  }
.LBB2_1:
0xe: {  	[tilespmem:s2], [sflag:$0x2] =	stream.linear.gather [hbm4b:s4+s2], $0x200, $0x38;
	[tilespmem:$0x4200] =	vst v63  }
0xf: {  	_ =	swait.ge [sflag:s7], $0x200  }
0x10: {  	[sflag:s7] =	ssyncset.done $0x0  }
0x11: {  	[sflag:s7] =	ssyncadd.s32 $0xFFFFFE00  }
0x12: {  	v1 =	vld [tilespmem:s2+$0x0]  }
0x13: {  	v2 =	vmov s2  }
0x14: {  	v2 =	vshll.u32 v2, $0x4  }
0x15: {  	v2 =	vor.u32 v0, v2  }
0x16: {  	v3 =	vor.u32 $0x1, v2  }
0x17: {  	v5 =	vor.u32 $0x2, v2;
	v4 =	vshll.u32 v1, $0x4  }
0x18: {  	v6 =	vor.u32 $0x3, v2;
	v1 =	vand.u32 $0x7FFF, v1;
	v4 =	vand.u32 $0xFFF80000, v4  }
0x19: {  	v4 =	vor.u32 v1, v4;
	v1 =	vor.u32 $0x4, v2  }
0x1a: {  	v8 =	vor.u32 $0x5, v2;
	[tilespmem:v2+s8+$0x0] =	vst.idx.msk $0xffff, v4;
	v7 =	vor.u32 $0x8000, v4  }
0x1b: {  	v56 =	vor.u32 $0x6, v2;
	[tilespmem:v3+s8+$0x0] =	vst.idx.msk $0xffff, v7;
	v3 =	vor.u32 $0x10000, v4  }
0x1c: {  	v57 =	vor.u32 $0x7, v2;
	[tilespmem:v5+s8+$0x0] =	vst.idx.msk $0xffff, v3;
	v3 =	vor.u32 $0x18000, v4  }
0x1d: {  	v58 =	vor.u32 $0x8, v2;
	[tilespmem:v6+s8+$0x0] =	vst.idx.msk $0xffff, v3;
	v3 =	vor.u32 $0x20000, v4  }
0x1e: {  	[tilespmem:v1+s8+$0x0] =	vst.idx.msk $0xffff, v3;
	v1 =	vor.u32 $0x28000, v4;
	v3 =	vor.u32 $0x9, v2  }
0x1f: {  	v59 =	vor.u32 $0xA, v2;
	[tilespmem:v8+s8+$0x0] =	vst.idx.msk $0xffff, v1;
	v1 =	vor.u32 $0x30000, v4  }
0x20: {  	v60 =	vor.u32 $0xB, v2;
	[tilespmem:v56+s8+$0x0] =	vst.idx.msk $0xffff, v1;
	v1 =	vor.u32 $0x38000, v4  }
0x21: {  	v61 =	vor.u32 $0xC, v2;
	[tilespmem:v57+s8+$0x0] =	vst.idx.msk $0xffff, v1;
	v1 =	vor.u32 $0x40000, v4  }
0x22: {  	v62 =	vor.u32 $0xD, v2;
	[tilespmem:v58+s8+$0x0] =	vst.idx.msk $0xffff, v1;
	v1 =	vor.u32 $0x48000, v4  }
0x23: {  	[tilespmem:v3+s8+$0x0] =	vst.idx.msk $0xffff, v1;
	v1 =	vor.u32 $0x50000, v4  }
0x24: {  	[tilespmem:v59+s8+$0x0] =	vst.idx.msk $0xffff, v1;
	v1 =	vor.u32 $0x58000, v4  }
0x25: {  	v3 =	vor.u32 $0xE, v2;
	[tilespmem:v60+s8+$0x0] =	vst.idx.msk $0xffff, v1;
	v1 =	vor.u32 $0x60000, v4  }
0x26: {  	[tilespmem:v61+s8+$0x0] =	vst.idx.msk $0xffff, v1;
	v1 =	vor.u32 $0x68000, v4  }
0x27: {  	[tilespmem:v62+s8+$0x0] =	vst.idx.msk $0xffff, v1;
	v1 =	vor.u32 $0xF, v2;
	_ =	sdelay $0x1  }
0x28: {  	v63 =	vor.u32 $0x70000, v4  }
0x29: {  	s19 =	simm.s32 $0x10;
	s20 =	simm.s32 $0x0;
	v2 =	vor.u32 $0x78000, v4;
	[tilespmem:v3+s8+$0x0] =	vst.idx.msk $0xffff, v63  }
.LBB2_2:
0x2a: {  	p0 =	sne.s32 s19, $0x1F0  }
0x2b: {  	[tilespmem:v1+s8+$0x0] =	vst.idx.msk $0xffff, v2;
	s20 =	sadd.s32 $0x10, s20;
	s21 =	smov.u32 s19;
	s19 =	sadd.s32 $0x10, s19  }
0x2c: {  	v1 =	vld [tilespmem:s20+$0x0]  }
0x2d: {  	v2 =	vmov s21  }
0x2e: {  	v2 =	vshll.u32 v2, $0x4  }
0x2f: {  	v2 =	vor.u32 v0, v2  }
0x30: {  	v3 =	vor.u32 $0x1, v2  }
0x31: {  	v5 =	vor.u32 $0x2, v2;
	v4 =	vshll.u32 v1, $0x4  }
0x32: {  	v6 =	vor.u32 $0x3, v2;
	v1 =	vand.u32 $0x7FFF, v1;
	v4 =	vand.u32 $0xFFF80000, v4  }
0x33: {  	v4 =	vor.u32 v1, v4;
	v1 =	vor.u32 $0x4, v2  }
0x34: {  	v8 =	vor.u32 $0x5, v2;
	[tilespmem:v2+s8+$0x0] =	vst.idx.msk $0xffff, v4;
	v7 =	vor.u32 $0x8000, v4  }
0x35: {  	[tilespmem:v3+s8+$0x0] =	vst.idx.msk $0xffff, v7;
	v3 =	vor.u32 $0x10000, v4;
	v7 =	vor.u32 $0x6, v2  }
0x36: {  	[tilespmem:v5+s8+$0x0] =	vst.idx.msk $0xffff, v3;
	v3 =	vor.u32 $0x18000, v4;
	v5 =	vor.u32 $0x7, v2  }
0x37: {  	[tilespmem:v6+s8+$0x0] =	vst.idx.msk $0xffff, v3;
	v3 =	vor.u32 $0x20000, v4;
	v6 =	vor.u32 $0x8, v2  }
0x38: {  	[tilespmem:v1+s8+$0x0] =	vst.idx.msk $0xffff, v3;
	v1 =	vor.u32 $0x28000, v4;
	v3 =	vor.u32 $0x9, v2  }
0x39: {  	[tilespmem:v8+s8+$0x0] =	vst.idx.msk $0xffff, v1;
	v1 =	vor.u32 $0x30000, v4;
	v8 =	vor.u32 $0xA, v2  }
0x3a: {  	[tilespmem:v7+s8+$0x0] =	vst.idx.msk $0xffff, v1;
	v1 =	vor.u32 $0x38000, v4;
	v7 =	vor.u32 $0xB, v2  }
0x3b: {  	[tilespmem:v5+s8+$0x0] =	vst.idx.msk $0xffff, v1;
	v1 =	vor.u32 $0x40000, v4;
	v5 =	vor.u32 $0xC, v2  }
0x3c: {  	[tilespmem:v6+s8+$0x0] =	vst.idx.msk $0xffff, v1;
	v1 =	vor.u32 $0x48000, v4;
	v6 =	vor.u32 $0xD, v2  }
0x3d: {  	[tilespmem:v3+s8+$0x0] =	vst.idx.msk $0xffff, v1;
	v1 =	vor.u32 $0x50000, v4;
	v3 =	vor.u32 $0xE, v2  }
.Ltmp0:
0x3e: {  	[tilespmem:v8+s8+$0x0] =	vst.idx.msk $0xffff, v1;
	v8 =	vor.u32 $0x58000, v4;
	v1 =	vor.u32 $0xF, v2;
	(pc) =	sbr.rel @p0 .LBB2_2-.Ltmp0, $4  }
0x3f: {  	v2 =	vor.u32 $0x60000, v4;
	[tilespmem:v7+s8+$0x0] =	vst.idx.msk $0xffff, v8  }
0x40: {  	[tilespmem:v5+s8+$0x0] =	vst.idx.msk $0xffff, v2;
	v2 =	vor.u32 $0x68000, v4  }
0x41: {  	[tilespmem:v6+s8+$0x0] =	vst.idx.msk $0xffff, v2;
	v2 =	vor.u32 $0x70000, v4  }
0x42: {  	[tilespmem:v3+s8+$0x0] =	vst.idx.msk $0xffff, v2;
	v2 =	vor.u32 $0x78000, v4  }
0x43: {  	_ =	sdelay $0x3  }
0x44: {  	[tilespmem:v1+s8+$0x0] =	vst.idx.msk $0xffff, v2  }
0x45: {  	[tilespmem:s10], [sflag:$0x1] =	stream.indirect.gather [hbm4b:s3+s9], $0x1, s8, s9, $0xb8;
	[tilespmem:$0x4200] =	vst v63  }
0x46: {  	_ = 	snop  }
0x47: {  	[tilespmem:s12], [sflag:$0x1] =	stream.indirect.gather [hbm4b:s3+s9], $0x1, s11, s9, $0xb8;
	[tilespmem:$0x4200] =	vst v63  }
0x48: {  	_ = 	snop  }
0x49: {  	[tilespmem:s14], [sflag:$0x1] =	stream.indirect.gather [hbm4b:s3+s9], $0x1, s13, s9, $0xb8;
	[tilespmem:$0x4200] =	vst v63  }
0x4a: {  	_ = 	snop  }
0x4b: {  	[tilespmem:s16], [sflag:$0x1] =	stream.indirect.gather [hbm4b:s3+s9], $0x1, s15, s9, $0xb8;
	[tilespmem:$0x4200] =	vst v63  }
0x4c: {  	_ =	swait.ge [sflag:s17], $0x800  }
0x4d: {  	[sflag:s17] =	ssyncset.done $0x0  }
0x4e: {  	[sflag:s17] =	ssyncadd.s32 $0xFFFFF800  }
0x4f: {  	_ =	swait.ge [sflag:s17], $0x800  }
0x50: {  	[sflag:s17] =	ssyncset.done $0x0  }
0x51: {  	[sflag:s17] =	ssyncadd.s32 $0xFFFFF800  }
0x52: {  	_ =	swait.ge [sflag:s17], $0x800  }
0x53: {  	[sflag:s17] =	ssyncset.done $0x0  }
0x54: {  	[sflag:s17] =	ssyncadd.s32 $0xFFFFF800  }
0x55: {  	s18 =	sadd.s32 $0x1, s18;
	_ =	swait.ge [sflag:s17], $0x800  }
0x56: {  	p0 =	sne.s32 s18, s6;
	[sflag:s17] =	ssyncset.done $0x0  }
.Ltmp1:
0x57: {  	[sflag:s17] =	ssyncadd.s32 $0xFFFFF800;
	(pc) =	sbr.rel @p0 .LBB2_1-.Ltmp1, $4  }
0x58: {  	[hbm4b:s5+s2] =	stream.linear.scatter [tilespmem:s10], [sflag:$0x2], $0x2000, $0x38;
	[tilespmem:$0x4200] =	vst v63  }
0x59: {  	_ =	swait.ge [sflag:s7], $0x2000  }
0x5a: {  	[sflag:s7] =	ssyncset.done $0x0  }
0x5b: {  	[sflag:s7] =	ssyncadd.s32 $0xFFFFE000  }
0x5c: {  	_ =	sfence.sel $0x180000  }
0x5d: {  	[bflag:$0x0] =	sbarrier.arrive $0xFFFF  }
0x5e: {  	p0 =	sne.s32 s1, $0x0;
	_ =	strace $0x90000047  }
0x5f: {  	s0 =	sadd.s32 @!p0 $0x100000, s0;
	[bflag:$0x2] =	sbarrier.arrive $0xFFFF  }
0x60: {  	[sflag:s0] =	ssyncadd.tile.s32 @!p0 $0x1;
	_ =	shalt  }
.Lfunc_end2:
_tile_overlayer_lowered:
.L_overlay_start_2:
0x61: {  	(tag) =	ssettag $0x2  }
0x62: {  	s0 =	rddreg [dreg:$0x0];
	s2 =	stileid.u32  }
0x63: {  	s1 =	rddreg [dreg:$0x1];
	p0 =	sne.s32 s2, $0x0  }
0x64: {  	s3 =	rddreg [dreg:$0x2];
	[bflag:$0x3] =	sbarrier.arrive $0xFFFF;
	s2 =	simm.s32 @!p0 $0x1C02  }
0x65: {  	[timem:s3], [sflag:s2] =	dma.local @!p0 [hbm:s0], s1  }
0x66: {  	s0 =	simm.s32 @!p0 $0x2  }
0x67: {  	_ =	swait.ge @!p0 [sflag:s0], s1  }
0x68: {  	s1 =	ssub.s32 @!p0 $0x0, s1;
	[sflag:s0] =	ssyncset.done @!p0 $0x0  }
0x69: {  	[sflag:s0] =	ssyncadd.s32 @!p0 s1  }
0x6a: {  	[bflag:$0x3] =	sbarrier.arrive $0xFFFF  }
0x6b: {  	_ =	shalt  }

// kernel: kernel.7.cloned.1.call-start
scs
__scs_entry_jumppad:
0x0: {  	(pc) =	sbr.rel $0x88, $3  }
0x1: {  	(tag) =	ssettag $0x0;
	lr =	simm.s32 $0x1  }
0x2: {  	[smem:$0x3F85] =	sst lr;
	_ =	strace $0xD0000000  }
0x3: {  	_ = 	snop  }
0x4: {  	_ = 	snop  }
0x5: {  	_ = 	snop  }
0x6: {  	_ = 	snop  }
0x7: {  	_ = 	snop  }
__scs_overlays_trampoline_lowered:
0x8: {  	[smem:$0x3F94] =	sst s0  }
0x9: {  	[smem:$0x3F95] =	sst s1  }
0xa: {  	[smem:$0x3F96] =	sst s2  }
0xb: {  	[smem:$0x3F97] =	sst s3  }
0xc: {  	[smem:$0x3F98] =	sst s4  }
0xd: {  	[smem:$0x3F99] =	sst s5  }
0xe: {  	[smem:$0x3F9A] =	sst s6  }
0xf: {  	[smem:$0x3F9B] =	sst s7  }
0x10: {  	[smem:$0x3F9C] =	sst s8  }
0x11: {  	[smem:$0x3F9D] =	sst s9;
	s0 =	simm.s32 @!p0 $0x0  }
0x12: {  	s1 =	sld [smem:$0x3F83];
	s0 =	simm.s32 @p0 $0x1  }
0x13: {  	[smem:$0x3F9E] =	sst s0;
	s0 =	simm.s32 @!p1 $0x0  }
0x14: {  	s2 =	sld [smem:$0x3F82];
	s0 =	simm.s32 @p1 $0x1  }
0x15: {  	[smem:$0x3F9F] =	sst s0;
	s0 =	simm.s32 @!p2 $0x0  }
0x16: {  	s3 =	sld [smem:$0x3FDB];
	s0 =	simm.s32 @p2 $0x1  }
0x17: {  	s4 =	simm.s32 $0x1BF5;
	[smem:$0x3FA1] =	sst s0  }
0x18: {  	s0 =	sld [smem:$0x3F84];
	_ =	swait.ge [sflag:s4], $0x0  }
0x19: {  	s7 =	sld [smem:$0x3F85]  }
0x1a: {  	s8 =	sadd.s32 $0xFFFFE003, lr  }
0x1b: {  	s9 =	sadd.s32 $0xFFFFFEF7, lr;
	s5 =	simm.s32 $0xFFFFFFFF;
	p2 =	slt.u32 s8, $0xFFFFF086  }
0x1c: {  	p1 =	slt.u32 s9, $0xF7A;
	s5 =	simm.s32 @!p2 $0x0  }
0x1d: {  	s5 =	simm.s32 @p1 $0x1;
	p0 =	seq.s32 s7, s2  }
0x1e: {  	s7 =	smul.u32 @!p0 $0xF7A, s2;
	p2 =	seq.s32 @!p0 s5, $0x0  }
0x1f: {  	s9 =	smul.u32 $0xF7A, s1;
	s8 =	simm.s32 @!p0 $0x1BF5;
	p2 =	por !p2, p0  }
0x20: {  	[sflag:s8] =	ssyncset.s32 @!p0 $0xFFFFF086;
	s6 =	sadd.s32 @!p0 s3, s7;
	s7 =	simm.s32 @!p0 $0x108  }
0x21: {  	s3 =	sadd.s32 s3, s9;
	s6 =	sadd.s32 @!p0 $0x88, s6;
	s7 =	simm.s32 @p2 $0x1082  }
0x22: {  	[simem:s7], [sflag:s8] =	dma.local @!p0 [hbm:s6], $0xF7A  }
0x23: {  	s9 =	sor.u32 $0xD0000000, s2;
	s6 =	simm.s32 $0x108;
	_ =	swait.ge @!p0 [sflag:s8], $0x0  }
0x24: {  	s3 =	sadd.s32 $0x88, s3;
	s6 =	simm.s32 @!p1 $0x1082;
	[sflag:s4] =	ssyncset.s32 $0xFFFFF086  }
0x25: {  	[simem:s6], [sflag:s4] =	dma.local [hbm:s3], $0xF7A  }
0x26: {  	[smem:$0x3F85] =	sst s1;
	(tag) =	ssettag s2;
	_ =	strace s9  }
0x27: {  	s1 =	sld [smem:$0x3F95]  }
0x28: {  	s2 =	sld [smem:$0x3F96]  }
0x29: {  	s4 =	sld [smem:$0x3F98]  }
0x2a: {  	p0 =	seq.s32 s5, $0x0;
	s5 =	sld [smem:$0x3F99]  }
0x2b: {  	s6 =	sld [smem:$0x3F9A]  }
0x2c: {  	s7 =	sld [smem:$0x3F9B]  }
0x2d: {  	s3 =	simm.s32 $0x108;
	s8 =	sld [smem:$0x3F9C]  }
0x2e: {  	s3 =	simm.s32 @!p0 $0x1082;
	s9 =	sld [smem:$0x3F9D]  }
0x2f: {  	lr =	sadd.s32 s0, s3;
	s0 =	sld [smem:$0x3F94]  }
0x30: {  	s3 =	sld [smem:$0x3F97]  }
0x31: {  	[smem:$0x3FA0] =	sst s10  }
0x32: {  	s10 =	sld [smem:$0x3F9E];
	_ =	sdelay $0x3  }
0x33: {  	p0 =	seq.s32 s10, $0x1;
	s10 =	sld [smem:$0x3FA0];
	_ =	sdelay $0x3  }
0x34: {  	[smem:$0x3FA0] =	sst s10  }
0x35: {  	s10 =	sld [smem:$0x3F9F];
	_ =	sdelay $0x3  }
0x36: {  	p1 =	seq.s32 s10, $0x1;
	s10 =	sld [smem:$0x3FA0];
	_ =	sdelay $0x3  }
0x37: {  	[smem:$0x3FA0] =	sst s10  }
0x38: {  	s10 =	sld [smem:$0x3FA1]  }
0x39: {  	_ = 	snop;
	(pc) =	sbr.ind lr, $3  }
0x3a: {  	_ = 	snop  }
0x3b: {  	_ = 	snop  }
0x3c: {  	p2 =	seq.s32 s10, $0x1;
	s10 =	sld [smem:$0x3FA0]  }
0x3d: {  	_ =	shalt  }
0x3e: {  	_ =	shalt  }
0x3f: {  	_ =	shalt  }
0x40: {  	_ =	shalt  }
0x41: {  	_ =	shalt  }
0x42: {  	_ =	shalt  }
0x43: {  	_ =	shalt  }
0x44: {  	_ =	shalt  }
0x45: {  	_ =	shalt  }
0x46: {  	_ =	shalt  }
0x47: {  	_ =	shalt  }
0x48: {  	_ =	shalt  }
0x49: {  	_ =	shalt  }
0x4a: {  	_ =	shalt  }
0x4b: {  	_ =	shalt  }
0x4c: {  	_ =	shalt  }
0x4d: {  	_ =	shalt  }
0x4e: {  	_ =	shalt  }
0x4f: {  	_ =	shalt  }
0x50: {  	_ =	shalt  }
0x51: {  	_ =	shalt  }
0x52: {  	_ =	shalt  }
0x53: {  	_ =	shalt  }
0x54: {  	_ =	shalt  }
0x55: {  	_ =	shalt  }
0x56: {  	_ =	shalt  }
0x57: {  	_ =	shalt  }
0x58: {  	_ =	shalt  }
0x59: {  	_ =	shalt  }
0x5a: {  	_ =	shalt  }
0x5b: {  	_ =	shalt  }
0x5c: {  	_ =	shalt  }
0x5d: {  	_ =	shalt  }
0x5e: {  	_ =	shalt  }
0x5f: {  	_ =	shalt  }
0x60: {  	_ =	shalt  }
0x61: {  	_ =	shalt  }
0x62: {  	_ =	shalt  }
0x63: {  	_ =	shalt  }
0x64: {  	_ =	shalt  }
0x65: {  	_ =	shalt  }
0x66: {  	_ =	shalt  }
0x67: {  	_ =	shalt  }
0x68: {  	_ =	shalt  }
0x69: {  	_ =	shalt  }
0x6a: {  	_ =	shalt  }
0x6b: {  	_ =	shalt  }
0x6c: {  	_ =	shalt  }
0x6d: {  	_ =	shalt  }
0x6e: {  	_ =	shalt  }
0x6f: {  	_ =	shalt  }
0x70: {  	_ =	shalt  }
0x71: {  	_ =	shalt  }
0x72: {  	_ =	shalt  }
0x73: {  	_ =	shalt  }
0x74: {  	_ =	shalt  }
0x75: {  	_ =	shalt  }
0x76: {  	_ =	shalt  }
0x77: {  	_ =	shalt  }
0x78: {  	_ =	shalt  }
0x79: {  	_ =	shalt  }
0x7a: {  	_ =	shalt  }
0x7b: {  	_ =	shalt  }
0x7c: {  	_ =	shalt  }
0x7d: {  	_ =	shalt  }
0x7e: {  	_ =	shalt  }
0x7f: {  	_ =	shalt  }
0x80: {  	_ =	shalt  }
0x81: {  	_ =	shalt  }
0x82: {  	_ =	shalt  }
0x83: {  	_ =	shalt  }
0x84: {  	_ =	shalt  }
0x85: {  	_ =	shalt  }
0x86: {  	_ =	shalt  }
0x87: {  	_ =	shalt  }
.Lfunc_end0:
.L_simem_size_0:
called_computation_lowered:
.L_overlay_start_0:
0x88: {  	s2 =	sld [smem:$0x3FD9]  }
0x89: {  	s3 =	sld [smem:$0x3FFE];
	_ =	sdelay $0x1  }
0x8a: {  	s1 =	srdreg.scid  }
0x8b: {  	s0 =	sand.u32 $0x1, s1  }
0x8c: {  	s17 =	sshll.u32 s0, $0xA;
	s2 =	sadd.s32 s3, s2  }
0x8d: {  	s2 =	sadd.s32 s2, s17  }
0x8e: {  	[smem:$0x3FAC] =	sst s2  }
0x8f: {  	_ = 	snop  }
0x90: {  	s4 =	sld [smem:$0x3FC8]  }
0x91: {  	s5 =	sld [smem:$0x3FC7]  }
0x92: {  	s6 =	sld [smem:$0x3FC6]  }
0x93: {  	s7 =	sld [smem:$0x3FC5]  }
0x94: {  	s8 =	sld [smem:$0x3FC4]  }
0x95: {  	s9 =	sld [smem:$0x3FC3]  }
0x96: {  	s10 =	sld [smem:$0x3FC2]  }
0x97: {  	s11 =	sld [smem:$0x3FC1]  }
0x98: {  	s12 =	sld [smem:$0x3FC0]  }
0x99: {  	s18 =	sld [smem:$0x3FD0];
	(tm) =	ssettm $0x1  }
0x9a: {  	s19 =	sld [smem:$0x3FFB];
	_ =	sdelay $0x3  }
0x9b: {  	_ =	strace s19  }
0x9c: {  	s2 =	sld [smem:$0x3FFC];
	_ =	sdelay $0x3  }
0x9d: {  	_ =	strace s2  }
0x9e: {  	s2 =	sld [smem:$0x3FFD];
	_ =	sdelay $0x3  }
0x9f: {  	_ =	strace s2  }
0xa0: {  	_ =	strace $0x8FFFFFFF  }
0xa1: {  	s20 =	sld [smem:$0x3FDB];
	_ =	sdelay $0x1  }
0xa2: {  	s13 =	simm.s32 $_scs_section_size  }
0xa3: {  	s14 =	simm.s32 $_size__tile_overlayer_lowered;
	s15 =	simm.s32 $_tile_overlayer_lowered  }
0xa4: {  	s16 =	simm.s32 $0x1BFF;
	s21 =	sshll.u32 s15, $0x1;
	s13 =	sadd.s32 s13, s20  }
0xa5: {  	s22 =	simm.s32 $0x0;
	s14 =	sshll.u32 s14, $0x1;
	s15 =	sadd.s32 s21, s13  }
0xa6: {  	[timem:s22], [sflag:s16] =	dma.local [hbm:s15], s14  }
0xa7: {  	_ =	swait.ge [sflag:s16], s14  }
0xa8: {  	s14 =	ssub.s32 $0x0, s14;
	[sflag:s16] =	ssyncset.done $0x0  }
0xa9: {  	[sflag:s16] =	ssyncadd.s32 s14;
	_ =	sdelay $0x1  }
0xaa: {  	s23 =	simm.s32 $0x1B8B  }
0xab: {  	_ =	swait.ge [sflag:s23], $0x1  }
0xac: {  	[sflag:s23] =	ssyncset.done $0x0  }
0xad: {  	[sflag:s23] =	ssyncadd.s32 $0xFFFFFFFF  }
0xae: {  	s14 =	sld [smem:$0x0]  }
0xaf: {  	s15 =	sand.u32 $0xFFFFFFFE, s1  }
0xb0: {  	p0 =	sne.s32 s1, s15  }
0xb1: {  	s15 =	sshll.u32 @p0 s15, $0xE  }
0xb2: {  	s15 =	sadd.s32 @p0 $0x11B8D, s15;
	s16 =	sshll.u32 @p0 s14, $0x11  }
0xb3: {  	s15 =	sor.u32 @p0 s16, s15  }
0xb4: {  	[sflag:s15] =	ssyncadd.remote.s32 @p0 $0x1;
	_ =	sdelay $0x1  }
0xb5: {  	s15 =	simm.s32 @p0 $0x1B8D  }
0xb6: {  	_ =	swait.eq @p0 [sflag:s15], $0x1  }
0xb7: {  	[sflag:s15] =	ssyncadd.s32 @p0 $0xFFFFFFFF  }
0xb8: {  	s16 =	sshll.u32 @!p0 s1, $0xE  }
0xb9: {  	s16 =	sor.u32 @!p0 $0x4000, s16;
	s15 =	simm.s32 @!p0 $0x1B8D  }
0xba: {  	s14 =	sshll.u32 @!p0 s14, $0x11;
	s16 =	sadd.s32 @!p0 $0x11B8D, s16;
	_ =	swait.eq @!p0 [sflag:s15], $0x1  }
0xbb: {  	s14 =	sor.u32 @!p0 s14, s16;
	[sflag:s15] =	ssyncadd.s32 @!p0 $0xFFFFFFFF  }
0xbc: {  	s25 =	simm.s32 $0x1B8E;
	s24 =	sld [smem:$0x3FFE];
	[sflag:s14] =	ssyncadd.remote.s32 @!p0 $0x1  }
0xbd: {  	s26 =	simm.s32 $execute0_lowered;
	[smem:$0x3FD2] =	sst s25  }
0xbe: {  	s15 =	sshll.u32 s26, $0x1;
	_ =	strace $0x80000049;
	[dreg:$0x1] =	wrdreg $0xFFFFFFFF  }
0xbf: {  	s28 =	simm.s32 $_size_execute0_lowered;
	s13 =	sadd.s32 s13, s15;
	[dreg:$0x0] =	wrdreg $0x0  }
0xc0: {  	s15 =	sshll.u32 s28, $0x1;
	[dreg:$0x2] =	wrdreg s13  }
0xc1: {  	[dreg:$0x3] =	wrdreg s15  }
0xc2: {  	[dreg:$0x4] =	wrdreg $0xC0  }
0xc3: {  	_ =	task [dreg:s22], $0x5FFFF  }
0xc4: {  	[dreg:$0x1] =	wrdreg $0xFFFFFFFF  }
0xc5: {  	[dreg:$0x0] =	wrdreg $0x60  }
0xc6: {  	[dreg:$0x2] =	wrdreg s4  }
0xc7: {  	[dreg:$0x3] =	wrdreg s5  }
0xc8: {  	[dreg:$0x4] =	wrdreg s6  }
0xc9: {  	[dreg:$0x5] =	wrdreg s7  }
0xca: {  	[dreg:$0x6] =	wrdreg s8  }
0xcb: {  	[dreg:$0x7] =	wrdreg s9  }
0xcc: {  	[dreg:$0x8] =	wrdreg s10  }
0xcd: {  	[dreg:$0x9] =	wrdreg s11  }
0xce: {  	[dreg:$0xa] =	wrdreg s12  }
0xcf: {  	[dreg:$0xb] =	wrdreg s24  }
0xd0: {  	[dreg:$0xc] =	wrdreg s18  }
0xd1: {  	[dreg:$0xd] =	wrdreg $0x9  }
0xd2: {  	_ =	task.clear_ibuf [dreg:s22], $0xEFFFF;
	_ =	strace $0x90000049  }
0xd3: {  	s29 =	simm.s32 $0x9;
	_ =	strace $0x8000004B  }
0xd4: {  	_ =	swait.ge [sflag:s29], $0x1  }
0xd5: {  	[sflag:s29] =	ssyncadd.s32 $0xFFFFFFFF  }
0xd6: {  	_ =	strace $0x9000004B  }
0xd7: {  	_ =	sfence  }
0xd8: {  	s30 =	sld [smem:$0x0];
	_ =	sdelay $0x2  }
0xd9: {  	s31 =	sshll.u32 s1, $0xD;
	s1 =	sshrl.u32 s1, $0x2  }
0xda: {  	s4 =	sand.u32 $0x4000, s31;
	s1 =	sadd.s32 s1, s30  }
0xdb: {  	s0 =	sor.u32 s4, s0;
	s1 =	sshll.u32 s1, $0x11  }
0xdc: {  	s0 =	sor.u32 s1, s0  }
0xdd: {  	s0 =	sadd.s32 $0x8F2B, s0  }
0xde: {  	[sflag:s0] =	ssyncadd.remote.s32 $0x1  }
0xdf: {  	_ =	sfence.sel $0xFFFF  }
0xe0: {  	[dreg:$0x0] =	wrdreg $0xFFFFFFFF;
	(pc) =	sbr.abs _section_cstart, $3  }
0xe1: {  	[dreg:$0x1] =	wrdreg $0xFFFFFFFF  }
0xe2: {  	_ =	task.clear_ibuf [dreg:s22], $0x2FFFF;
	_ =	strace $0x9FFFFFFF  }
0xe3: {  	(tm) =	ssettm $0x7FFFFFFF  }
tec
execute0_lowered:
.L_overlay_start_1:
0x0: {  	(tag) =	ssettag $0x1  }
0x1: {  	s0 =	rddreg [dreg:$0x0]  }
0x2: {  	s1 =	rddreg [dreg:$0x1]  }
0x3: {  	s6 =	rddreg [dreg:$0x2]  }
0x4: {  	s15 =	rddreg [dreg:$0x3]  }
0x5: {  	s16 =	rddreg [dreg:$0x4]  }
0x6: {  	s17 =	rddreg [dreg:$0x5]  }
0x7: {  	s18 =	rddreg [dreg:$0x6]  }
0x8: {  	s19 =	rddreg [dreg:$0x7]  }
0x9: {  	s20 =	rddreg [dreg:$0x8]  }
0xa: {  	s12 =	rddreg [dreg:$0x9];
	s2 =	simm.s32 $0x0;
	s28 =	simm.s32 $0x2200  }
0xb: {  	s30 =	simm.s32 $0x5200;
	[smem:$0x7FF] =	sst s2;
	s3 =	sadd.s32 $0x1FC400, s12  }
0xc: {  	s11 =	srdreg.scid;
	s4 =	sadd.s32 $0x23C400, s12;
	s26 =	sadd.s32 $0x23C600, s12  }
0xd: {  	s31 =	stileid.u32;
	s7 =	sadd.s32 $0x23C800, s12;
	s8 =	sadd.s32 $0x23CA00, s12  }
0xe: {  	s29 =	simm.s32 $0x0;
	s9 =	sadd.s32 $0x23CC00, s12;
	s10 =	sadd.s32 $0x23CE00, s12  }
0xf: {  	s13 =	sand.u32 $0x1, s11;
	_ =	strace $0x8000004A;
	[dreg:$0xc] =	wrdreg s4  }
0x10: {  	s14 =	sshll.u32 s31, $0x1;
	s11 =	sadd.s32 $0x23D000, s12;
	[dreg:$0xd] =	wrdreg s26  }
0x11: {  	s14 =	sor.u32 s13, s14;
	s13 =	ssub.s32 $0x2, s13;
	s26 =	simm.s32 $0x800  }
0x12: {  	s21 =	sshll.u32 s14, $0xA;
	s22 =	sshrl.u32 s13, $0x1;
	s23 =	sshll.u32 s14, $0x6  }
0x13: {  	s24 =	sadd.s32 s21, s12;
	s25 =	ssub.s32 s13, s22;
	s12 =	sadd.s32 s0, s23  }
0x14: {  	s13 =	sadd.s32 s1, s23;
	s14 =	sadd.s32 s6, s23;
	s15 =	sadd.s32 s15, s23  }
0x15: {  	s16 =	sadd.s32 s16, s23;
	s17 =	sadd.s32 s17, s23;
	s18 =	sadd.s32 s18, s23  }
0x16: {  	s19 =	sadd.s32 s19, s23;
	s20 =	sadd.s32 s20, s23;
	s6 =	simm.s32 $0xCF40  }
0x17: {  	v0 =	vlaneseq.u32;
	s1 =	simm.s32 $0x1;
	s21 =	sadd.s32 $0x23D200, s24;
	s22 =	sadd.s32 $0x245200, s24  }
0x18: {  	v0 =	vmul.u32 $0x10, v0;
	s23 =	smax.u32 s25, $0x1;
	s24 =	simm.s32 $0x2;
	s25 =	simm.s32 $0x200  }
.LBB2_1:
0x19: {  	[tilespmem:s2], [sflag:$0x2] =	stream.linear.gather [hbm4b:s12+s2], $0x200, $0x38;
	[tilespmem:$0xEF40] =	vst v63  }
0x1a: {  	_ =	swait.ge [sflag:s24], $0x200  }
0x1b: {  	[sflag:s24] =	ssyncset.done $0x0  }
0x1c: {  	[sflag:s24] =	ssyncadd.s32 $0xFFFFFE00  }
0x1d: {  	v1 =	vld [tilespmem:s2+$0x0]  }
0x1e: {  	v2 =	vmov s2  }
0x1f: {  	v2 =	vshll.u32 v2, $0x4  }
0x20: {  	v2 =	vor.u32 v0, v2  }
0x21: {  	v3 =	vor.u32 $0x1, v2  }
0x22: {  	v5 =	vor.u32 $0x2, v2;
	v4 =	vshll.u32 v1, $0x4  }
0x23: {  	v6 =	vor.u32 $0x3, v2;
	v1 =	vand.u32 $0x7FFF, v1;
	v4 =	vand.u32 $0xFFF80000, v4  }
0x24: {  	v4 =	vor.u32 v1, v4;
	v1 =	vor.u32 $0x4, v2  }
0x25: {  	v8 =	vor.u32 $0x5, v2;
	[tilespmem:v2+s25+$0x0] =	vst.idx.msk $0xffff, v4;
	v7 =	vor.u32 $0x8000, v4  }
0x26: {  	v56 =	vor.u32 $0x6, v2;
	[tilespmem:v3+s25+$0x0] =	vst.idx.msk $0xffff, v7;
	v3 =	vor.u32 $0x10000, v4  }
0x27: {  	v57 =	vor.u32 $0x7, v2;
	[tilespmem:v5+s25+$0x0] =	vst.idx.msk $0xffff, v3;
	v3 =	vor.u32 $0x18000, v4  }
0x28: {  	v58 =	vor.u32 $0x8, v2;
	[tilespmem:v6+s25+$0x0] =	vst.idx.msk $0xffff, v3;
	v3 =	vor.u32 $0x20000, v4  }
0x29: {  	[tilespmem:v1+s25+$0x0] =	vst.idx.msk $0xffff, v3;
	v1 =	vor.u32 $0x28000, v4;
	v3 =	vor.u32 $0x9, v2  }
0x2a: {  	v59 =	vor.u32 $0xA, v2;
	[tilespmem:v8+s25+$0x0] =	vst.idx.msk $0xffff, v1;
	v1 =	vor.u32 $0x30000, v4  }
0x2b: {  	v60 =	vor.u32 $0xB, v2;
	[tilespmem:v56+s25+$0x0] =	vst.idx.msk $0xffff, v1;
	v1 =	vor.u32 $0x38000, v4  }
0x2c: {  	v61 =	vor.u32 $0xC, v2;
	[tilespmem:v57+s25+$0x0] =	vst.idx.msk $0xffff, v1;
	v1 =	vor.u32 $0x40000, v4  }
0x2d: {  	v62 =	vor.u32 $0xD, v2;
	[tilespmem:v58+s25+$0x0] =	vst.idx.msk $0xffff, v1;
	v1 =	vor.u32 $0x48000, v4  }
0x2e: {  	[tilespmem:v3+s25+$0x0] =	vst.idx.msk $0xffff, v1;
	v1 =	vor.u32 $0x50000, v4  }
0x2f: {  	[tilespmem:v59+s25+$0x0] =	vst.idx.msk $0xffff, v1;
	v1 =	vor.u32 $0x58000, v4  }
0x30: {  	v3 =	vor.u32 $0xE, v2;
	[tilespmem:v60+s25+$0x0] =	vst.idx.msk $0xffff, v1;
	v1 =	vor.u32 $0x60000, v4  }
0x31: {  	[tilespmem:v61+s25+$0x0] =	vst.idx.msk $0xffff, v1;
	v1 =	vor.u32 $0x68000, v4  }
0x32: {  	[tilespmem:v62+s25+$0x0] =	vst.idx.msk $0xffff, v1;
	v1 =	vor.u32 $0xF, v2;
	_ =	sdelay $0x1  }
0x33: {  	v63 =	vor.u32 $0x70000, v4  }
0x34: {  	s0 =	simm.s32 $0x10;
	s31 =	simm.s32 $0x0;
	v2 =	vor.u32 $0x78000, v4;
	[tilespmem:v3+s25+$0x0] =	vst.idx.msk $0xffff, v63  }
.LBB2_2:
0x35: {  	p0 =	sne.s32 s0, $0x1F0  }
0x36: {  	[tilespmem:v1+s25+$0x0] =	vst.idx.msk $0xffff, v2;
	s31 =	sadd.s32 $0x10, s31;
	s4 =	smov.u32 s0;
	s0 =	sadd.s32 $0x10, s0  }
0x37: {  	v1 =	vld [tilespmem:s31+$0x0]  }
0x38: {  	v2 =	vmov s4  }
0x39: {  	v2 =	vshll.u32 v2, $0x4  }
0x3a: {  	v2 =	vor.u32 v0, v2  }
0x3b: {  	v3 =	vor.u32 $0x1, v2  }
0x3c: {  	v5 =	vor.u32 $0x2, v2;
	v4 =	vshll.u32 v1, $0x4  }
0x3d: {  	v6 =	vor.u32 $0x3, v2;
	v1 =	vand.u32 $0x7FFF, v1;
	v4 =	vand.u32 $0xFFF80000, v4  }
0x3e: {  	v4 =	vor.u32 v1, v4;
	v1 =	vor.u32 $0x4, v2  }
0x3f: {  	v8 =	vor.u32 $0x5, v2;
	[tilespmem:v2+s25+$0x0] =	vst.idx.msk $0xffff, v4;
	v7 =	vor.u32 $0x8000, v4  }
0x40: {  	[tilespmem:v3+s25+$0x0] =	vst.idx.msk $0xffff, v7;
	v3 =	vor.u32 $0x10000, v4;
	v7 =	vor.u32 $0x6, v2  }
0x41: {  	[tilespmem:v5+s25+$0x0] =	vst.idx.msk $0xffff, v3;
	v3 =	vor.u32 $0x18000, v4;
	v5 =	vor.u32 $0x7, v2  }
0x42: {  	[tilespmem:v6+s25+$0x0] =	vst.idx.msk $0xffff, v3;
	v3 =	vor.u32 $0x20000, v4;
	v6 =	vor.u32 $0x8, v2  }
0x43: {  	[tilespmem:v1+s25+$0x0] =	vst.idx.msk $0xffff, v3;
	v1 =	vor.u32 $0x28000, v4;
	v3 =	vor.u32 $0x9, v2  }
0x44: {  	[tilespmem:v8+s25+$0x0] =	vst.idx.msk $0xffff, v1;
	v1 =	vor.u32 $0x30000, v4;
	v8 =	vor.u32 $0xA, v2  }
0x45: {  	[tilespmem:v7+s25+$0x0] =	vst.idx.msk $0xffff, v1;
	v1 =	vor.u32 $0x38000, v4;
	v7 =	vor.u32 $0xB, v2  }
0x46: {  	[tilespmem:v5+s25+$0x0] =	vst.idx.msk $0xffff, v1;
	v1 =	vor.u32 $0x40000, v4;
	v5 =	vor.u32 $0xC, v2  }
0x47: {  	[tilespmem:v6+s25+$0x0] =	vst.idx.msk $0xffff, v1;
	v1 =	vor.u32 $0x48000, v4;
	v6 =	vor.u32 $0xD, v2  }
0x48: {  	[tilespmem:v3+s25+$0x0] =	vst.idx.msk $0xffff, v1;
	v1 =	vor.u32 $0x50000, v4;
	v3 =	vor.u32 $0xE, v2  }
.Ltmp0:
0x49: {  	[tilespmem:v8+s25+$0x0] =	vst.idx.msk $0xffff, v1;
	v8 =	vor.u32 $0x58000, v4;
	v1 =	vor.u32 $0xF, v2;
	(pc) =	sbr.rel @p0 .LBB2_2-.Ltmp0, $4  }
0x4a: {  	v2 =	vor.u32 $0x60000, v4;
	[tilespmem:v7+s25+$0x0] =	vst.idx.msk $0xffff, v8  }
0x4b: {  	[tilespmem:v5+s25+$0x0] =	vst.idx.msk $0xffff, v2;
	v2 =	vor.u32 $0x68000, v4  }
0x4c: {  	[tilespmem:v6+s25+$0x0] =	vst.idx.msk $0xffff, v2;
	v2 =	vor.u32 $0x70000, v4  }
0x4d: {  	[tilespmem:v3+s25+$0x0] =	vst.idx.msk $0xffff, v2;
	v2 =	vor.u32 $0x78000, v4  }
0x4e: {  	_ =	sdelay $0x3  }
0x4f: {  	[tilespmem:v1+s25+$0x0] =	vst.idx.msk $0xffff, v2  }
0x50: {  	[tilespmem:s28], [sflag:$0x1] =	stream.indirect.gather [hbm4b:s3+s26], $0x1, s25, s26, $0xb8;
	[tilespmem:$0xEF40] =	vst v63  }
0x51: {  	s0 =	simm.s32 $0xA00;
	s4 =	simm.s32 $0x2A00  }
0x52: {  	[tilespmem:s4], [sflag:$0x1] =	stream.indirect.gather [hbm4b:s3+s26], $0x1, s0, s26, $0xb8;
	[tilespmem:$0xEF40] =	vst v63  }
0x53: {  	s5 =	simm.s32 $0x3200;
	s4 =	simm.s32 $0x1200  }
0x54: {  	[tilespmem:s5], [sflag:$0x1] =	stream.indirect.gather [hbm4b:s3+s26], $0x1, s4, s26, $0xb8;
	[tilespmem:$0xEF40] =	vst v63  }
0x55: {  	s4 =	simm.s32 $0x1A00;
	s5 =	simm.s32 $0x3A00  }
0x56: {  	[tilespmem:s5], [sflag:$0x1] =	stream.indirect.gather [hbm4b:s3+s26], $0x1, s4, s26, $0xb8;
	[tilespmem:$0xEF40] =	vst v63  }
0x57: {  	s31 =	simm.s32 $0x0;
	s5 =	simm.s32 $0x4200  }
0x58: {  	[tilespmem:s5], [sflag:$0x2] =	stream.linear.gather [hbm4b:s13+s31], $0x200, $0x38;
	[tilespmem:$0xEF40] =	vst v63  }
0x59: {  	_ =	swait.ge [sflag:s24], $0x200  }
0x5a: {  	[sflag:s24] =	ssyncset.done $0x0  }
0x5b: {  	s4 =	simm.s32 $0x4400;
	[sflag:s24] =	ssyncadd.s32 $0xFFFFFE00  }
0x5c: {  	[tilespmem:s4], [sflag:$0x2] =	stream.linear.gather [hbm4b:s14+s31], $0x200, $0x38;
	[tilespmem:$0xEF40] =	vst v63  }
0x5d: {  	_ =	swait.ge [sflag:s24], $0x200  }
0x5e: {  	[sflag:s24] =	ssyncset.done $0x0  }
0x5f: {  	s5 =	simm.s32 $0x4600;
	[sflag:s24] =	ssyncadd.s32 $0xFFFFFE00  }
0x60: {  	[tilespmem:s5], [sflag:$0x2] =	stream.linear.gather [hbm4b:s15+s31], $0x200, $0x38;
	[tilespmem:$0xEF40] =	vst v63  }
0x61: {  	_ =	swait.ge [sflag:s24], $0x200  }
0x62: {  	[sflag:s24] =	ssyncset.done $0x0  }
0x63: {  	s4 =	simm.s32 $0x4800;
	[sflag:s24] =	ssyncadd.s32 $0xFFFFFE00  }
0x64: {  	[tilespmem:s4], [sflag:$0x2] =	stream.linear.gather [hbm4b:s16+s31], $0x200, $0x38;
	[tilespmem:$0xEF40] =	vst v63  }
0x65: {  	_ =	swait.ge [sflag:s24], $0x200  }
0x66: {  	[sflag:s24] =	ssyncset.done $0x0  }
0x67: {  	s0 =	simm.s32 $0x4A00;
	[sflag:s24] =	ssyncadd.s32 $0xFFFFFE00  }
0x68: {  	[tilespmem:s0], [sflag:$0x2] =	stream.linear.gather [hbm4b:s17+s31], $0x200, $0x38;
	[tilespmem:$0xEF40] =	vst v63  }
0x69: {  	_ =	swait.ge [sflag:s24], $0x200  }
0x6a: {  	[sflag:s24] =	ssyncset.done $0x0  }
0x6b: {  	s5 =	simm.s32 $0x4C00;
	[sflag:s24] =	ssyncadd.s32 $0xFFFFFE00  }
0x6c: {  	[tilespmem:s5], [sflag:$0x2] =	stream.linear.gather [hbm4b:s18+s31], $0x200, $0x38;
	[tilespmem:$0xEF40] =	vst v63  }
0x6d: {  	_ =	swait.ge [sflag:s24], $0x200  }
0x6e: {  	[sflag:s24] =	ssyncset.done $0x0  }
0x6f: {  	s5 =	simm.s32 $0x4E00;
	[sflag:s24] =	ssyncadd.s32 $0xFFFFFE00  }
0x70: {  	[tilespmem:s5], [sflag:$0x2] =	stream.linear.gather [hbm4b:s19+s31], $0x200, $0x38;
	[tilespmem:$0xEF40] =	vst v63  }
0x71: {  	_ =	swait.ge [sflag:s24], $0x200  }
0x72: {  	[sflag:s24] =	ssyncset.done $0x0  }
0x73: {  	s5 =	simm.s32 $0x5000;
	[sflag:s24] =	ssyncadd.s32 $0xFFFFFE00  }
0x74: {  	[tilespmem:s5], [sflag:$0x2] =	stream.linear.gather [hbm4b:s20+s31], $0x200, $0x38;
	[tilespmem:$0xEF40] =	vst v63  }
0x75: {  	_ =	swait.ge [sflag:s24], $0x200  }
0x76: {  	[sflag:s24] =	ssyncset.done $0x0  }
0x77: {  	[sflag:s24] =	ssyncadd.s32 $0xFFFFFE00  }
0x78: {  	s5 =	rddreg [dreg:$0xa]  }
0x79: {  	[tilespmem:s30], [sflag:$0x2] =	stream.linear.gather [hbm4b:s5+s31], $0xFA4, $0x38;
	[tilespmem:$0xEF40] =	vst v63  }
0x7a: {  	_ =	swait.ge [sflag:s24], $0xFA4  }
0x7b: {  	[sflag:s24] =	ssyncset.done $0x0  }
0x7c: {  	s5 =	simm.s32 $0x61A8;
	s4 =	rddreg [dreg:$0xc];
	[sflag:s24] =	ssyncadd.s32 $0xFFFFF05C  }
0x7d: {  	[tilespmem:s5], [sflag:$0x2] =	stream.linear.gather [hbm4b:s4+s31], $0xFA4, $0x38;
	[tilespmem:$0xEF40] =	vst v63  }
0x7e: {  	_ =	swait.ge [sflag:s24], $0xFA4  }
0x7f: {  	[sflag:s24] =	ssyncset.done $0x0  }
0x80: {  	s5 =	simm.s32 $0x7150;
	s4 =	rddreg [dreg:$0xd];
	[sflag:s24] =	ssyncadd.s32 $0xFFFFF05C  }
0x81: {  	[tilespmem:s5], [sflag:$0x2] =	stream.linear.gather [hbm4b:s4+s31], $0xFA4, $0x38;
	[tilespmem:$0xEF40] =	vst v63  }
0x82: {  	_ =	swait.ge [sflag:s24], $0xFA4  }
0x83: {  	[sflag:s24] =	ssyncset.done $0x0  }
0x84: {  	s5 =	simm.s32 $0x80F8;
	[sflag:s24] =	ssyncadd.s32 $0xFFFFF05C  }
0x85: {  	[tilespmem:s5], [sflag:$0x2] =	stream.linear.gather [hbm4b:s7+s31], $0xFA4, $0x38;
	[tilespmem:$0xEF40] =	vst v63  }
0x86: {  	_ =	swait.ge [sflag:s24], $0xFA4  }
0x87: {  	[sflag:s24] =	ssyncset.done $0x0  }
0x88: {  	s5 =	simm.s32 $0x90A0;
	[sflag:s24] =	ssyncadd.s32 $0xFFFFF05C  }
0x89: {  	[tilespmem:s5], [sflag:$0x2] =	stream.linear.gather [hbm4b:s8+s31], $0xFA4, $0x38;
	[tilespmem:$0xEF40] =	vst v63  }
0x8a: {  	_ =	swait.ge [sflag:s24], $0xFA4  }
0x8b: {  	[sflag:s24] =	ssyncset.done $0x0  }
0x8c: {  	s5 =	simm.s32 $0xA048;
	[sflag:s24] =	ssyncadd.s32 $0xFFFFF05C  }
0x8d: {  	[tilespmem:s5], [sflag:$0x2] =	stream.linear.gather [hbm4b:s9+s31], $0xFA4, $0x38;
	[tilespmem:$0xEF40] =	vst v63  }
0x8e: {  	_ =	swait.ge [sflag:s24], $0xFA4  }
0x8f: {  	[sflag:s24] =	ssyncset.done $0x0  }
0x90: {  	s5 =	simm.s32 $0xAFF0;
	[sflag:s24] =	ssyncadd.s32 $0xFFFFF05C  }
0x91: {  	[tilespmem:s5], [sflag:$0x2] =	stream.linear.gather [hbm4b:s10+s31], $0xFA4, $0x38;
	[tilespmem:$0xEF40] =	vst v63  }
0x92: {  	_ =	swait.ge [sflag:s24], $0xFA4  }
0x93: {  	[sflag:s24] =	ssyncset.done $0x0  }
0x94: {  	s5 =	simm.s32 $0xBF98;
	[sflag:s24] =	ssyncadd.s32 $0xFFFFF05C  }
0x95: {  	[tilespmem:s5], [sflag:$0x2] =	stream.linear.gather [hbm4b:s11+s31], $0xFA4, $0x38;
	[tilespmem:$0xEF40] =	vst v63  }
0x96: {  	_ =	swait.ge [sflag:s24], $0xFA4  }
0x97: {  	[sflag:s24] =	ssyncset.done $0x0  }
0x98: {  	[sflag:s24] =	ssyncadd.s32 $0xFFFFF05C  }
.LBB2_4:
0x99: {  	v1 =	vld [tilespmem:s0+$0xFFFFF800];
	_ =	sdelay $0x4  }
0x9a: {  	v2 =	vshll.u32 v1, $0x2  }
0x9b: {  	v1 =	vor.u32 $0x1, v2;
	_ =	sdelay $0x3  }
0x9c: {  	v3 =	vld.idx.msk [tilespmem:v2+s30+$0x0], $0xffff  }
0x9d: {  	v4 =	vmov s31;
	v5 =	vld.idx.msk [tilespmem:v1+s30+$0x0], $0xffff  }
0x9e: {  	v1 =	vshll.u32 v4, $0x4  }
0x9f: {  	v1 =	vor.u32 v0, v1  }
0xa0: {  	v36 =	vor.u32 $0x2, v2  }
0xa1: {  	v2 =	vor.u32 $0x3, v2  }
0xa2: {  	v3 =	vshrl.u32 v3, $0x10;
	v5 =	vand.u32 $0xFFFF0000, v5  }
0xa3: {  	v3 =	vor.u32 v3, v5  }
0xa4: {  	[tilespmem:v1+s6+$0x0] =	vst.idx.msk $0xffff, v3  }
0xa5: {  	v3 =	vld.idx.msk [tilespmem:v36+s30+$0x0], $0xffff  }
0xa6: {  	v2 =	vld.idx.msk [tilespmem:v2+s30+$0x0], $0xffff;
	_ =	sdelay $0x1  }
0xa7: {  	v37 =	vor.u32 $0x1, v1;
	_ =	sdelay $0x2  }
0xa8: {  	v2 =	vand.u32 $0xFFFF0000, v2;
	v3 =	vshrl.u32 v3, $0x10  }
0xa9: {  	v2 =	vor.u32 v3, v2  }
0xaa: {  	[tilespmem:v37+s6+$0x0] =	vst.idx.msk $0xffff, v2  }
0xab: {  	v2 =	vld [tilespmem:s0+$0xFFFFFA00];
	_ =	sdelay $0x4  }
0xac: {  	v2 =	vshll.u32 v2, $0x2  }
0xad: {  	v3 =	vadd.s32 $0xFA8, v2  }
0xae: {  	v38 =	vadd.s32 $0xFA9, v2;
	_ =	sdelay $0x3  }
0xaf: {  	v3 =	vld.idx.msk [tilespmem:v3+s30+$0x0], $0xffff  }
0xb0: {  	v4 =	vld.idx.msk [tilespmem:v38+s30+$0x0], $0xffff;
	_ =	sdelay $0x1  }
0xb1: {  	v39 =	vor.u32 $0x2, v1  }
0xb2: {  	v6 =	vadd.s32 $0xFAA, v2  }
0xb3: {  	v2 =	vadd.s32 $0xFAB, v2  }
0xb4: {  	v4 =	vand.u32 $0xFFFF0000, v4;
	v3 =	vshrl.u32 v3, $0x10  }
0xb5: {  	v3 =	vor.u32 v3, v4  }
0xb6: {  	[tilespmem:v39+s6+$0x0] =	vst.idx.msk $0xffff, v3  }
0xb7: {  	v3 =	vld.idx.msk [tilespmem:v6+s30+$0x0], $0xffff  }
0xb8: {  	v2 =	vld.idx.msk [tilespmem:v2+s30+$0x0], $0xffff;
	_ =	sdelay $0x1  }
0xb9: {  	v40 =	vor.u32 $0x3, v1;
	_ =	sdelay $0x2  }
0xba: {  	v2 =	vand.u32 $0xFFFF0000, v2;
	v3 =	vshrl.u32 v3, $0x10  }
0xbb: {  	v2 =	vor.u32 v3, v2  }
0xbc: {  	[tilespmem:v40+s6+$0x0] =	vst.idx.msk $0xffff, v2  }
0xbd: {  	v2 =	vld [tilespmem:s0+$0xFFFFFC00];
	_ =	sdelay $0x4  }
0xbe: {  	v2 =	vshll.u32 v2, $0x2  }
0xbf: {  	v3 =	vadd.s32 $0x1F50, v2  }
0xc0: {  	v41 =	vadd.s32 $0x1F51, v2;
	_ =	sdelay $0x3  }
0xc1: {  	v3 =	vld.idx.msk [tilespmem:v3+s30+$0x0], $0xffff  }
0xc2: {  	v4 =	vld.idx.msk [tilespmem:v41+s30+$0x0], $0xffff;
	_ =	sdelay $0x1  }
0xc3: {  	v42 =	vor.u32 $0x4, v1  }
0xc4: {  	v43 =	vadd.s32 $0x1F52, v2  }
0xc5: {  	v2 =	vadd.s32 $0x1F53, v2  }
0xc6: {  	v4 =	vand.u32 $0xFFFF0000, v4;
	v3 =	vshrl.u32 v3, $0x10  }
0xc7: {  	v3 =	vor.u32 v3, v4  }
0xc8: {  	[tilespmem:v42+s6+$0x0] =	vst.idx.msk $0xffff, v3  }
0xc9: {  	v3 =	vld.idx.msk [tilespmem:v43+s30+$0x0], $0xffff  }
0xca: {  	v2 =	vld.idx.msk [tilespmem:v2+s30+$0x0], $0xffff;
	_ =	sdelay $0x1  }
0xcb: {  	v44 =	vor.u32 $0x5, v1;
	_ =	sdelay $0x2  }
0xcc: {  	v2 =	vand.u32 $0xFFFF0000, v2;
	v3 =	vshrl.u32 v3, $0x10  }
0xcd: {  	v2 =	vor.u32 v3, v2  }
0xce: {  	[tilespmem:v44+s6+$0x0] =	vst.idx.msk $0xffff, v2  }
0xcf: {  	v2 =	vld [tilespmem:s0+$0xFFFFFE00];
	_ =	sdelay $0x4  }
0xd0: {  	v2 =	vshll.u32 v2, $0x2  }
0xd1: {  	v3 =	vadd.s32 $0x2EF8, v2  }
0xd2: {  	v45 =	vadd.s32 $0x2EF9, v2;
	_ =	sdelay $0x3  }
0xd3: {  	v3 =	vld.idx.msk [tilespmem:v3+s30+$0x0], $0xffff  }
0xd4: {  	v4 =	vld.idx.msk [tilespmem:v45+s30+$0x0], $0xffff;
	_ =	sdelay $0x1  }
0xd5: {  	v46 =	vor.u32 $0x6, v1  }
0xd6: {  	v47 =	vadd.s32 $0x2EFA, v2  }
0xd7: {  	v2 =	vadd.s32 $0x2EFB, v2  }
0xd8: {  	v4 =	vand.u32 $0xFFFF0000, v4;
	v3 =	vshrl.u32 v3, $0x10  }
0xd9: {  	v3 =	vor.u32 v3, v4  }
0xda: {  	[tilespmem:v46+s6+$0x0] =	vst.idx.msk $0xffff, v3  }
0xdb: {  	v3 =	vld.idx.msk [tilespmem:v47+s30+$0x0], $0xffff  }
0xdc: {  	v2 =	vld.idx.msk [tilespmem:v2+s30+$0x0], $0xffff;
	_ =	sdelay $0x1  }
0xdd: {  	v48 =	vor.u32 $0x7, v1;
	_ =	sdelay $0x2  }
0xde: {  	v2 =	vand.u32 $0xFFFF0000, v2;
	v3 =	vshrl.u32 v3, $0x10  }
0xdf: {  	v2 =	vor.u32 v3, v2  }
0xe0: {  	[tilespmem:v48+s6+$0x0] =	vst.idx.msk $0xffff, v2  }
0xe1: {  	v2 =	vld [tilespmem:s0+$0x0];
	_ =	sdelay $0x4  }
0xe2: {  	v2 =	vshll.u32 v2, $0x2  }
0xe3: {  	v3 =	vadd.s32 $0x3EA0, v2  }
0xe4: {  	v49 =	vadd.s32 $0x3EA1, v2;
	_ =	sdelay $0x3  }
0xe5: {  	v3 =	vld.idx.msk [tilespmem:v3+s30+$0x0], $0xffff  }
0xe6: {  	v4 =	vld.idx.msk [tilespmem:v49+s30+$0x0], $0xffff;
	_ =	sdelay $0x1  }
0xe7: {  	v50 =	vor.u32 $0x8, v1  }
0xe8: {  	v51 =	vadd.s32 $0x3EA2, v2  }
0xe9: {  	v2 =	vadd.s32 $0x3EA3, v2  }
0xea: {  	v4 =	vand.u32 $0xFFFF0000, v4;
	v3 =	vshrl.u32 v3, $0x10  }
0xeb: {  	v3 =	vor.u32 v3, v4  }
0xec: {  	[tilespmem:v50+s6+$0x0] =	vst.idx.msk $0xffff, v3  }
0xed: {  	v3 =	vld.idx.msk [tilespmem:v51+s30+$0x0], $0xffff  }
0xee: {  	v2 =	vld.idx.msk [tilespmem:v2+s30+$0x0], $0xffff;
	_ =	sdelay $0x1  }
0xef: {  	v52 =	vor.u32 $0x9, v1;
	_ =	sdelay $0x2  }
0xf0: {  	v2 =	vand.u32 $0xFFFF0000, v2;
	v3 =	vshrl.u32 v3, $0x10  }
0xf1: {  	v2 =	vor.u32 v3, v2  }
0xf2: {  	[tilespmem:v52+s6+$0x0] =	vst.idx.msk $0xffff, v2  }
0xf3: {  	v2 =	vld [tilespmem:s0+$0x200];
	_ =	sdelay $0x4  }
0xf4: {  	v2 =	vshll.u32 v2, $0x2  }
0xf5: {  	v3 =	vadd.s32 $0x4E48, v2  }
0xf6: {  	v53 =	vadd.s32 $0x4E49, v2;
	_ =	sdelay $0x3  }
0xf7: {  	v3 =	vld.idx.msk [tilespmem:v3+s30+$0x0], $0xffff  }
0xf8: {  	v4 =	vld.idx.msk [tilespmem:v53+s30+$0x0], $0xffff;
	_ =	sdelay $0x1  }
0xf9: {  	v54 =	vor.u32 $0xA, v1  }
0xfa: {  	v55 =	vadd.s32 $0x4E4A, v2  }
0xfb: {  	v2 =	vadd.s32 $0x4E4B, v2  }
0xfc: {  	v4 =	vand.u32 $0xFFFF0000, v4;
	v3 =	vshrl.u32 v3, $0x10  }
0xfd: {  	v3 =	vor.u32 v3, v4  }
0xfe: {  	[tilespmem:v54+s6+$0x0] =	vst.idx.msk $0xffff, v3  }
0xff: {  	v3 =	vld.idx.msk [tilespmem:v55+s30+$0x0], $0xffff  }
0x100: {  	v2 =	vld.idx.msk [tilespmem:v2+s30+$0x0], $0xffff;
	_ =	sdelay $0x1  }
0x101: {  	v56 =	vor.u32 $0xB, v1;
	_ =	sdelay $0x2  }
0x102: {  	v2 =	vand.u32 $0xFFFF0000, v2;
	v3 =	vshrl.u32 v3, $0x10  }
0x103: {  	v2 =	vor.u32 v3, v2  }
0x104: {  	[tilespmem:v56+s6+$0x0] =	vst.idx.msk $0xffff, v2  }
0x105: {  	v2 =	vld [tilespmem:s0+$0x400];
	_ =	sdelay $0x4  }
0x106: {  	v2 =	vshll.u32 v2, $0x2  }
0x107: {  	v3 =	vadd.s32 $0x5DF0, v2  }
0x108: {  	v57 =	vadd.s32 $0x5DF1, v2;
	_ =	sdelay $0x3  }
0x109: {  	v3 =	vld.idx.msk [tilespmem:v3+s30+$0x0], $0xffff  }
0x10a: {  	v4 =	vld.idx.msk [tilespmem:v57+s30+$0x0], $0xffff;
	_ =	sdelay $0x1  }
0x10b: {  	v58 =	vor.u32 $0xC, v1  }
0x10c: {  	v59 =	vadd.s32 $0x5DF2, v2  }
0x10d: {  	v2 =	vadd.s32 $0x5DF3, v2  }
0x10e: {  	v4 =	vand.u32 $0xFFFF0000, v4;
	v3 =	vshrl.u32 v3, $0x10  }
0x10f: {  	v3 =	vor.u32 v3, v4  }
0x110: {  	[tilespmem:v58+s6+$0x0] =	vst.idx.msk $0xffff, v3  }
0x111: {  	v3 =	vld.idx.msk [tilespmem:v59+s30+$0x0], $0xffff  }
0x112: {  	v2 =	vld.idx.msk [tilespmem:v2+s30+$0x0], $0xffff;
	_ =	sdelay $0x1  }
0x113: {  	v60 =	vor.u32 $0xD, v1;
	_ =	sdelay $0x2  }
0x114: {  	v2 =	vand.u32 $0xFFFF0000, v2;
	v3 =	vshrl.u32 v3, $0x10  }
0x115: {  	v2 =	vor.u32 v3, v2  }
0x116: {  	[tilespmem:v60+s6+$0x0] =	vst.idx.msk $0xffff, v2  }
0x117: {  	v2 =	vld [tilespmem:s0+$0x600];
	_ =	sdelay $0x4  }
0x118: {  	v2 =	vshll.u32 v2, $0x2  }
0x119: {  	v3 =	vadd.s32 $0x6D98, v2  }
0x11a: {  	v61 =	vadd.s32 $0x6D99, v2;
	_ =	sdelay $0x3  }
0x11b: {  	v3 =	vld.idx.msk [tilespmem:v3+s30+$0x0], $0xffff  }
0x11c: {  	v4 =	vld.idx.msk [tilespmem:v61+s30+$0x0], $0xffff;
	_ =	sdelay $0x1  }
0x11d: {  	v62 =	vor.u32 $0xE, v1  }
0x11e: {  	v63 =	vadd.s32 $0x6D9A, v2  }
0x11f: {  	v2 =	vadd.s32 $0x6D9B, v2  }
0x120: {  	v4 =	vand.u32 $0xFFFF0000, v4;
	v3 =	vshrl.u32 v3, $0x10  }
0x121: {  	v3 =	vor.u32 v3, v4  }
0x122: {  	[tilespmem:v62+s6+$0x0] =	vst.idx.msk $0xffff, v3  }
0x123: {  	v3 =	vld.idx.msk [tilespmem:v63+s30+$0x0], $0xffff  }
0x124: {  	v2 =	vld.idx.msk [tilespmem:v2+s30+$0x0], $0xffff;
	_ =	sdelay $0x1  }
0x125: {  	p0 =	sne.s32 s31, $0x1F0;
	v1 =	vor.u32 $0xF, v1  }
.Ltmp1:
0x126: {  	_ = 	snop;
	(pc) =	sbr.rel @p0 .LBB2_4-.Ltmp1, $4  }
0x127: {  	_ = 	snop  }
0x128: {  	v2 =	vand.u32 $0xFFFF0000, v2;
	v3 =	vshrl.u32 v3, $0x10  }
0x129: {  	v2 =	vor.u32 v3, v2  }
0x12a: {  	s31 =	sadd.s32 $0x10, s31;
	s0 =	sadd.s32 $0x10, s0;
	[tilespmem:v1+s6+$0x0] =	vst.idx.msk $0xffff, v2  }
0x12b: {  	_ =	swait.ge [sflag:s1], $0x800  }
0x12c: {  	[sflag:s1] =	ssyncset.done $0x0  }
0x12d: {  	[sflag:s1] =	ssyncadd.s32 $0xFFFFF800  }
0x12e: {  	_ =	swait.ge [sflag:s1], $0x800  }
0x12f: {  	[sflag:s1] =	ssyncset.done $0x0  }
0x130: {  	[sflag:s1] =	ssyncadd.s32 $0xFFFFF800  }
0x131: {  	_ =	swait.ge [sflag:s1], $0x800  }
0x132: {  	[sflag:s1] =	ssyncset.done $0x0  }
0x133: {  	[sflag:s1] =	ssyncadd.s32 $0xFFFFF800  }
0x134: {  	_ =	swait.ge [sflag:s1], $0x800  }
0x135: {  	[sflag:s1] =	ssyncset.done $0x0  }
0x136: {  	[sflag:s1] =	ssyncadd.s32 $0xFFFFF800  }
0x137: {  	[hbm4b:s21+s2] =	stream.linear.scatter [tilespmem:s28], [sflag:$0x2], $0x2000, $0x38;
	[tilespmem:$0xEF40] =	vst v63  }
0x138: {  	s29 =	sadd.s32 $0x1, s29;
	_ =	swait.ge [sflag:s24], $0x2000  }
0x139: {  	p0 =	sne.s32 s29, s23;
	[sflag:s24] =	ssyncset.done $0x0  }
.Ltmp2:
0x13a: {  	[sflag:s24] =	ssyncadd.s32 $0xFFFFE000;
	(pc) =	sbr.rel @p0 .LBB2_1-.Ltmp2, $4  }
0x13b: {  	[hbm4b:s22+s2] =	stream.linear.scatter [tilespmem:s6], [sflag:$0x2], $0x2000, $0x38;
	[tilespmem:$0xEF40] =	vst v63  }
0x13c: {  	_ =	swait.ge [sflag:s24], $0x2000  }
0x13d: {  	[sflag:s24] =	ssyncset.done $0x0  }
0x13e: {  	[sflag:s24] =	ssyncadd.s32 $0xFFFFE000  }
0x13f: {  	_ =	sfence.sel $0x180000  }
0x140: {  	[bflag:$0x0] =	sbarrier.arrive $0xFFFF  }
0x141: {  	_ =	strace $0x9000004A  }
0x142: {  	s0 =	stileid.u32;
	[bflag:$0x2] =	sbarrier.arrive $0xFFFF  }
0x143: {  	p0 =	sne.s32 s0, $0x0;
	s0 =	rddreg [dreg:$0xb]  }
0x144: {  	s0 =	sadd.s32 @!p0 $0x100000, s0  }
0x145: {  	[sflag:s0] =	ssyncadd.tile.s32 @!p0 $0x1;
	_ =	shalt  }
.Lfunc_end2:
_tile_overlayer_lowered:
.L_overlay_start_2:
0x146: {  	(tag) =	ssettag $0x2  }
0x147: {  	s0 =	rddreg [dreg:$0x0];
	s2 =	stileid.u32  }
0x148: {  	s1 =	rddreg [dreg:$0x1];
	p0 =	sne.s32 s2, $0x0  }
0x149: {  	s3 =	rddreg [dreg:$0x2];
	[bflag:$0x3] =	sbarrier.arrive $0xFFFF;
	s2 =	simm.s32 @!p0 $0x1C02  }
0x14a: {  	[timem:s3], [sflag:s2] =	dma.local @!p0 [hbm:s0], s1  }
0x14b: {  	s0 =	simm.s32 @!p0 $0x2  }
0x14c: {  	_ =	swait.ge @!p0 [sflag:s0], s1  }
0x14d: {  	s1 =	ssub.s32 @!p0 $0x0, s1;
	[sflag:s0] =	ssyncset.done @!p0 $0x0  }
0x14e: {  	[sflag:s0] =	ssyncadd.s32 @!p0 s1  }
0x14f: {  	[bflag:$0x3] =	sbarrier.arrive $0xFFFF  }
0x150: {  	_ =	shalt  }

</sc_bundles>
